<compile_context>
chip_gen: v7x
topology: tpu7x:2x2x1
jax: 0.10.2.dev20260603
libtpu: 0.0.44.dev20260713+nightly
codegen_flags: <defaults>
</compile_context>

<pallas_src>
import functools

import jax
import jax.numpy as jnp
from jax import lax
from jax.experimental import pallas as pl
from jax.experimental.pallas import tpu as pltpu
from jax.experimental.pallas import tpu_sc as plsc

VOCAB = 100000
HDIM = 64
D = 2 * HDIM
B = 4096
S = 50

NC = 2
NS = 16
NW = NC * NS
RW = B // NW
GS = 128
NG = RW * S // GS
NBUF = 5
NVR = D // 16


def _sc_gather_sum_kernel(ids_hbm, didx_hbm, table_hbm, out_hbm,
                          idx_v, didx_v, zbuf, *scratch):
    rows = scratch[:NBUF]
    sums_sh = scratch[NBUF]
    gsems = scratch[NBUF + 1:]
    sid = lax.axis_index("s")
    wid = sid * NC + lax.axis_index("c")
    base = wid * RW
    shbase = sid * RW

    pltpu.sync_copy(ids_hbm.at[wid], idx_v)
    pltpu.sync_copy(didx_hbm.at[sid], didx_v)

    def gather(g, b):
        return pltpu.make_async_copy(
            table_hbm.at[idx_v.at[g]], rows[b], gsems[b])

    for b in range(NBUF):
        gather(b, b).start()

    zero = jnp.zeros((16,), jnp.float32)

    def zrow(r, carry):
        for d in range(NVR):
            zbuf[r, pl.ds(16 * d, 16)] = zero
        return carry

    lax.fori_loop(0, RW, zrow, 0)
    pltpu.sync_copy(zbuf, sums_sh.at[pl.ds(shbase, RW)])

    def group(g, carry):
        for b in range(NBUF):
            i = g * NBUF + b
            gather(i, b).wait()
            pltpu.sync_copy(rows[b], sums_sh.at[didx_v.at[i]], add=True)

            @pl.when(g < NG // NBUF - 1)
            def _():
                gather(i + NBUF, b).start()
        return carry

    lax.fori_loop(0, NG // NBUF, group, 0)
    pltpu.sync_copy(sums_sh.at[pl.ds(shbase, RW)], out_hbm.at[pl.ds(base, RW)])


def _sc_gather_sum(ids_w, didx, word_embed):
    mesh = plsc.VectorSubcoreMesh(core_axis_name="c", subcore_axis_name="s")
    f = functools.partial(
        pl.kernel,
        mesh=mesh,
        out_type=jax.ShapeDtypeStruct((B, D), jnp.float32),
        scratch_types=[pltpu.VMEM((NG, GS), jnp.int32)]
        + [pltpu.VMEM((NG, GS), jnp.int32)]
        + [pltpu.VMEM((RW, D), jnp.float32)]
        + [pltpu.VMEM((GS, D), jnp.float32) for _ in range(NBUF)]
        + [pltpu.VMEM_SHARED((NS * RW, D), jnp.float32)]
        + [pltpu.SemaphoreType.DMA] * NBUF,
    )(_sc_gather_sum_kernel)
    return f(ids_w, didx, word_embed)


def _tc_finish_kernel(sums_ref, ids_ref, row0_ref,
                      sr_ref, si_ref, ar_ref, ai_ref, p_ref, ph_ref):
    sums = sums_ref[...]
    ids = ids_ref[...]
    row0 = row0_ref[...]
    z = jnp.sum((ids == 0).astype(jnp.float32), axis=1, keepdims=True)
    sum_all = sums
    masked = sums - z * row0
    masked = jnp.where(z >= float(S), 0.0, masked)
    denom = (float(S) - z) + 1e-9
    pr = masked[:, :HDIM] / denom
    pi = masked[:, HDIM:] / denom
    norm = jnp.sqrt(jnp.sum(pr * pr + pi * pi, axis=1, keepdims=True)) + 1e-9
    sr = pr / norm
    si = pi / norm
    sr_ref[...] = sr
    si_ref[...] = si
    ar_ref[...] = sum_all[:, :HDIM] * (1.0 / S)
    ai_ref[...] = sum_all[:, HDIM:] * (1.0 / S)
    p_ref[...] = sr * sr + si * si
    ph_ref[...] = jnp.arctan2(si, sr)


def _tc_finish(sums, ids, row0):
    BB = 1024
    grid = (B // BB,)
    out_block = pl.BlockSpec((BB, HDIM), lambda i: (i, 0))
    return pl.pallas_call(
        _tc_finish_kernel,
        grid=grid,
        in_specs=[
            pl.BlockSpec((BB, D), lambda i: (i, 0)),
            pl.BlockSpec((BB, S), lambda i: (i, 0)),
            pl.BlockSpec((1, D), lambda i: (0, 0)),
        ],
        out_specs=[out_block] * 6,
        out_shape=[jax.ShapeDtypeStruct((B, HDIM), jnp.float32)] * 6,
    )(sums, ids, row0)


@jax.jit
def _run(input_ids, word_embed):
    ids = input_ids.astype(jnp.int32)
    ids_w = ids.reshape(NW, NG, GS)
    flat = (GS * jnp.arange(NG, dtype=jnp.int32)[None, :, None]
            + jnp.arange(GS, dtype=jnp.int32)[None, None, :])
    didx = flat // S + RW * jnp.arange(NS, dtype=jnp.int32)[:, None, None]
    sums = _sc_gather_sum(ids_w, didx, word_embed)
    row0 = word_embed[0:1, :]
    sr, si, ar, ai, prob, phase = _tc_finish(sums, ids, row0)
    amplitudes = jnp.stack([ar, ai], axis=-1)
    return sr, si, amplitudes, prob, phase


def kernel(input_ids, word_embed, basis_embed, phase_embed):
    return _run(input_ids, word_embed)

# --- scband reference (transcript-rebuilt; emitter-appended) ---
"""Pipeline reference for scband-quantum-superposition-embedding-12463995093796 (READ-ONLY COPY).

The authoritative reference and input builder live on the scoring server;
editing this copy changes nothing except your own understanding.
"""

import jax, jax.numpy as jnp
import numpy as np

VOCAB = 100000
HDIM = 64
NBASIS = 10
B = 4096
S = 50

def setup_inputs(seed: int = 0) -> dict:
    key = jax.random.key(seed)
    k1, k2, k3, k4 = jax.random.split(key, 4)
    input_ids = jax.random.randint(k1, (B, S), 0, VOCAB)
    word_embed = jax.random.normal(k2, (VOCAB, 2 * HDIM), dtype=jnp.float32) * 0.02
    basis_embed = jax.random.normal(k3, (NBASIS, HDIM), dtype=jnp.float32) * 0.02
    phase_embed = jax.random.normal(k4, (VOCAB, HDIM), dtype=jnp.float32) * 0.02
    return {"input_ids": input_ids, "word_embed": word_embed, "basis_embed": basis_embed, "phase_embed": phase_embed}

def reference(input_ids, word_embed, basis_embed, phase_embed):
    # word embedding gather -> complex state vector (real/imag halves)
    emb = jnp.take(word_embed, input_ids, axis=0)  # [B, S, 2*HDIM]
    real = emb[:, :, :HDIM]
    imag = emb[:, :, HDIM:]
    # masked mean-pool over sequence (pad id = 0)
    mask = (input_ids != 0)[..., None].astype(jnp.float32)  # [B, S, 1]
    denom = mask.sum(axis=1) + 1e-09  # [B, 1]
    pooled_r = (real * mask).sum(axis=1) / denom  # [B, HDIM]
    pooled_i = (imag * mask).sum(axis=1) / denom
    # normalize complex vector: ||z|| = sqrt(sum(re^2 + im^2))
    norm = jnp.sqrt((pooled_r ** 2 + pooled_i ** 2).sum(axis=-1, keepdims=True)) + 1e-09
    state_r = pooled_r / norm
    state_i = pooled_i / norm
    probabilities = state_r ** 2 + state_i ** 2  # |z|^2
    phase = jnp.arctan2(state_i, state_r)  # angle(z)
    amplitudes = jnp.stack([real.mean(axis=1), imag.mean(axis=1)], axis=-1)  # [B, HDIM, 2]
    return (state_r, state_i, amplitudes, probabilities, phase)

if __name__ == "__main__":
    import jax
    _d = setup_inputs()
    print(jax.jit(kernel)(*tuple(_d.values())))

</pallas_src>

<mosaic_0001>
#map = affine_map<(d0, d1) -> (0, 0, 0)>
#map1 = affine_map<(d0, d1) -> (0, 0)>
module attributes {stable_mosaic.version = 14 : i64} {
  func.func @_sc_gather_sum_kernel(%arg0: i32, %arg1: i32, %arg2: memref<32x50x128xi32, #tpu.memory_space<hbm>>, %arg3: memref<16x50x128xi32, #tpu.memory_space<hbm>>, %arg4: memref<100000x128xf32, #tpu.memory_space<hbm>>, %arg5: memref<4096x128xf32, #tpu.memory_space<hbm>>, %arg6: memref<50x128xi32, #tpu.memory_space<vmem>>, %arg7: memref<50x128xi32, #tpu.memory_space<vmem>>, %arg8: memref<128x128xf32, #tpu.memory_space<vmem>>, %arg9: memref<128x128xf32, #tpu.memory_space<vmem>>, %arg10: memref<128x128xf32, #tpu.memory_space<vmem>>, %arg11: memref<128x128xf32, #tpu.memory_space<vmem>>, %arg12: memref<128x128xf32, #tpu.memory_space<vmem>>, %arg13: memref<128x128xf32, #tpu.memory_space<vmem>>, %arg14: memref<2048x128xf32, #tpu.memory_space<vmem_shared>>, %arg15: memref<!tpu.dma_semaphore, #tpu.memory_space<semaphore_mem>>, %arg16: memref<!tpu.dma_semaphore, #tpu.memory_space<semaphore_mem>>, %arg17: memref<!tpu.dma_semaphore, #tpu.memory_space<semaphore_mem>>, %arg18: memref<!tpu.dma_semaphore, #tpu.memory_space<semaphore_mem>>, %arg19: memref<!tpu.dma_semaphore, #tpu.memory_space<semaphore_mem>>) attributes {dimension_semantics = [#tpu.dimension_semantics<core_parallel>, #tpu.dimension_semantics<subcore_parallel>], iteration_bounds = array<i64: 2, 16>, scalar_prefetch = 0 : i64, scratch_operands = 14 : i64, tpu.core_type = #tpu.core_type<sc_vector_subcore>, window_params = [{transform_indices = #map}, {transform_indices = #map}, {transform_indices = #map1}, {transform_indices = #map1}]} {
    %mul3A = arith.constant 2 : i32
    %mul3A_0 = arith.muli %arg1, %mul3A : i32
    %add3A = arith.addi %mul3A_0, %arg0 : i32
    %mul3A_1 = arith.constant 128 : i32
    %mul3A_2 = arith.muli %add3A, %mul3A_1 : i32
    %mul3A_3 = arith.constant 128 : i32
    %mul3A_4 = arith.muli %arg1, %mul3A_3 : i32
    "tpu.region"() ({
      %run_scoped3A = tpu.sem_alloc : memref<!tpu.dma_semaphore, #tpu.memory_space<semaphore_mem>>
      %dma_start3A_51 = arith.constant 0 : i32
      %dma_start3A_52 = arith.constant 0 : i32
      %dma_start3A_53 = tpu.memref_slice %arg2[%add3A, %dma_start3A_51, %dma_start3A_52] : memref<32x50x128xi32, #tpu.memory_space<hbm>> -> memref<1x50x128xi32, #tpu.memory_space<hbm>>
      %dma_start3A_54 = tpu.memref_squeeze %dma_start3A_53 : memref<1x50x128xi32, #tpu.memory_space<hbm>> -> memref<50x128xi32, #tpu.memory_space<hbm>>
      %dma_start3A_55 = arith.constant 0 : i32
      %dma_start3A_56 = arith.constant 0 : i32
      %dma_start3A_57 = tpu.memref_slice %arg2[%add3A, %dma_start3A_55, %dma_start3A_56] : memref<32x50x128xi32, #tpu.memory_space<hbm>> -> memref<1x50x128xi32, #tpu.memory_space<hbm>>
      %dma_start3A_58 = tpu.memref_squeeze %dma_start3A_57 : memref<1x50x128xi32, #tpu.memory_space<hbm>> -> memref<50x128xi32, #tpu.memory_space<hbm>>
      tpu.enqueue_dma source(%dma_start3A_58 : memref<50x128xi32, #tpu.memory_space<hbm>>) target(%arg6 : memref<50x128xi32, #tpu.memory_space<vmem>>) target_semaphore(%run_scoped3A : memref<!tpu.dma_semaphore, #tpu.memory_space<semaphore_mem>>)
      %dma_wait3A = arith.constant 0 : i32
      %dma_wait3A_59 = arith.constant 0 : i32
      %dma_wait3A_60 = tpu.memref_slice %arg2[%add3A, %dma_wait3A, %dma_wait3A_59] : memref<32x50x128xi32, #tpu.memory_space<hbm>> -> memref<1x50x128xi32, #tpu.memory_space<hbm>>
      %dma_wait3A_61 = tpu.memref_squeeze %dma_wait3A_60 : memref<1x50x128xi32, #tpu.memory_space<hbm>> -> memref<50x128xi32, #tpu.memory_space<hbm>>
      %dma_wait3A_62 = arith.constant 0 : i32
      %dma_wait3A_63 = arith.constant 0 : i32
      %dma_wait3A_64 = tpu.memref_slice %arg2[%add3A, %dma_wait3A_62, %dma_wait3A_63] : memref<32x50x128xi32, #tpu.memory_space<hbm>> -> memref<1x50x128xi32, #tpu.memory_space<hbm>>
      %dma_wait3A_65 = tpu.memref_squeeze %dma_wait3A_64 : memref<1x50x128xi32, #tpu.memory_space<hbm>> -> memref<50x128xi32, #tpu.memory_space<hbm>>
      tpu.wait_dma2 semaphore(%run_scoped3A : memref<!tpu.dma_semaphore, #tpu.memory_space<semaphore_mem>>) src(%dma_wait3A_65 : memref<50x128xi32, #tpu.memory_space<hbm>>) dst(%arg6 : memref<50x128xi32, #tpu.memory_space<vmem>>)
      tpu.yield
    }) : () -> ()
    "tpu.region"() ({
      %run_scoped3A = tpu.sem_alloc : memref<!tpu.dma_semaphore, #tpu.memory_space<semaphore_mem>>
      %dma_start3A_51 = arith.constant 0 : i32
      %dma_start3A_52 = arith.constant 0 : i32
      %dma_start3A_53 = tpu.memref_slice %arg3[%arg1, %dma_start3A_51, %dma_start3A_52] : memref<16x50x128xi32, #tpu.memory_space<hbm>> -> memref<1x50x128xi32, #tpu.memory_space<hbm>>
      %dma_start3A_54 = tpu.memref_squeeze %dma_start3A_53 : memref<1x50x128xi32, #tpu.memory_space<hbm>> -> memref<50x128xi32, #tpu.memory_space<hbm>>
      %dma_start3A_55 = arith.constant 0 : i32
      %dma_start3A_56 = arith.constant 0 : i32
      %dma_start3A_57 = tpu.memref_slice %arg3[%arg1, %dma_start3A_55, %dma_start3A_56] : memref<16x50x128xi32, #tpu.memory_space<hbm>> -> memref<1x50x128xi32, #tpu.memory_space<hbm>>
      %dma_start3A_58 = tpu.memref_squeeze %dma_start3A_57 : memref<1x50x128xi32, #tpu.memory_space<hbm>> -> memref<50x128xi32, #tpu.memory_space<hbm>>
      tpu.enqueue_dma source(%dma_start3A_58 : memref<50x128xi32, #tpu.memory_space<hbm>>) target(%arg7 : memref<50x128xi32, #tpu.memory_space<vmem>>) target_semaphore(%run_scoped3A : memref<!tpu.dma_semaphore, #tpu.memory_space<semaphore_mem>>)
      %dma_wait3A = arith.constant 0 : i32
      %dma_wait3A_59 = arith.constant 0 : i32
      %dma_wait3A_60 = tpu.memref_slice %arg3[%arg1, %dma_wait3A, %dma_wait3A_59] : memref<16x50x128xi32, #tpu.memory_space<hbm>> -> memref<1x50x128xi32, #tpu.memory_space<hbm>>
      %dma_wait3A_61 = tpu.memref_squeeze %dma_wait3A_60 : memref<1x50x128xi32, #tpu.memory_space<hbm>> -> memref<50x128xi32, #tpu.memory_space<hbm>>
      %dma_wait3A_62 = arith.constant 0 : i32
      %dma_wait3A_63 = arith.constant 0 : i32
      %dma_wait3A_64 = tpu.memref_slice %arg3[%arg1, %dma_wait3A_62, %dma_wait3A_63] : memref<16x50x128xi32, #tpu.memory_space<hbm>> -> memref<1x50x128xi32, #tpu.memory_space<hbm>>
      %dma_wait3A_65 = tpu.memref_squeeze %dma_wait3A_64 : memref<1x50x128xi32, #tpu.memory_space<hbm>> -> memref<50x128xi32, #tpu.memory_space<hbm>>
      tpu.wait_dma2 semaphore(%run_scoped3A : memref<!tpu.dma_semaphore, #tpu.memory_space<semaphore_mem>>) src(%dma_wait3A_65 : memref<50x128xi32, #tpu.memory_space<hbm>>) dst(%arg7 : memref<50x128xi32, #tpu.memory_space<vmem>>)
      tpu.yield
    }) : () -> ()
    %dma_start3A = arith.constant 0 : i32
    %dma_start3A_5 = arith.constant 0 : i32
    %dma_start3A_6 = tpu.memref_slice %arg6[%dma_start3A, %dma_start3A_5] : memref<50x128xi32, #tpu.memory_space<vmem>> -> memref<1x128xi32, #tpu.memory_space<vmem>>
    %dma_start3A_7 = tpu.memref_squeeze %dma_start3A_6 : memref<1x128xi32, #tpu.memory_space<vmem>> -> memref<128xi32, #tpu.memory_space<vmem>>
    %dma_start3A_8 = arith.constant 0 : i32
    %dma_start3A_9 = arith.constant 0 : i32
    %dma_start3A_10 = tpu.memref_slice %arg4[%dma_start3A_8, %dma_start3A_9] : memref<100000x128xf32, #tpu.memory_space<hbm>> -> memref<100000x128xf32, #tpu.memory_space<hbm>>
    tpu.enqueue_indirect_dma source(%dma_start3A_10 : memref<100000x128xf32, #tpu.memory_space<hbm>>) target(%arg9 : memref<128x128xf32, #tpu.memory_space<vmem>>) offsets(%dma_start3A_7 : memref<128xi32, #tpu.memory_space<vmem>>) semaphore(%arg15 : memref<!tpu.dma_semaphore, #tpu.memory_space<semaphore_mem>>)
    %dma_start3A_11 = arith.constant 1 : i32
    %dma_start3A_12 = arith.constant 0 : i32
    %dma_start3A_13 = tpu.memref_slice %arg6[%dma_start3A_11, %dma_start3A_12] : memref<50x128xi32, #tpu.memory_space<vmem>> -> memref<1x128xi32, #tpu.memory_space<vmem>>
    %dma_start3A_14 = tpu.memref_squeeze %dma_start3A_13 : memref<1x128xi32, #tpu.memory_space<vmem>> -> memref<128xi32, #tpu.memory_space<vmem>>
    %dma_start3A_15 = arith.constant 0 : i32
    %dma_start3A_16 = arith.constant 0 : i32
    %dma_start3A_17 = tpu.memref_slice %arg4[%dma_start3A_15, %dma_start3A_16] : memref<100000x128xf32, #tpu.memory_space<hbm>> -> memref<100000x128xf32, #tpu.memory_space<hbm>>
    tpu.enqueue_indirect_dma source(%dma_start3A_17 : memref<100000x128xf32, #tpu.memory_space<hbm>>) target(%arg10 : memref<128x128xf32, #tpu.memory_space<vmem>>) offsets(%dma_start3A_14 : memref<128xi32, #tpu.memory_space<vmem>>) semaphore(%arg16 : memref<!tpu.dma_semaphore, #tpu.memory_space<semaphore_mem>>)
    %dma_start3A_18 = arith.constant 2 : i32
    %dma_start3A_19 = arith.constant 0 : i32
    %dma_start3A_20 = tpu.memref_slice %arg6[%dma_start3A_18, %dma_start3A_19] : memref<50x128xi32, #tpu.memory_space<vmem>> -> memref<1x128xi32, #tpu.memory_space<vmem>>
    %dma_start3A_21 = tpu.memref_squeeze %dma_start3A_20 : memref<1x128xi32, #tpu.memory_space<vmem>> -> memref<128xi32, #tpu.memory_space<vmem>>
    %dma_start3A_22 = arith.constant 0 : i32
    %dma_start3A_23 = arith.constant 0 : i32
    %dma_start3A_24 = tpu.memref_slice %arg4[%dma_start3A_22, %dma_start3A_23] : memref<100000x128xf32, #tpu.memory_space<hbm>> -> memref<100000x128xf32, #tpu.memory_space<hbm>>
    tpu.enqueue_indirect_dma source(%dma_start3A_24 : memref<100000x128xf32, #tpu.memory_space<hbm>>) target(%arg11 : memref<128x128xf32, #tpu.memory_space<vmem>>) offsets(%dma_start3A_21 : memref<128xi32, #tpu.memory_space<vmem>>) semaphore(%arg17 : memref<!tpu.dma_semaphore, #tpu.memory_space<semaphore_mem>>)
    %dma_start3A_25 = arith.constant 3 : i32
    %dma_start3A_26 = arith.constant 0 : i32
    %dma_start3A_27 = tpu.memref_slice %arg6[%dma_start3A_25, %dma_start3A_26] : memref<50x128xi32, #tpu.memory_space<vmem>> -> memref<1x128xi32, #tpu.memory_space<vmem>>
    %dma_start3A_28 = tpu.memref_squeeze %dma_start3A_27 : memref<1x128xi32, #tpu.memory_space<vmem>> -> memref<128xi32, #tpu.memory_space<vmem>>
    %dma_start3A_29 = arith.constant 0 : i32
    %dma_start3A_30 = arith.constant 0 : i32
    %dma_start3A_31 = tpu.memref_slice %arg4[%dma_start3A_29, %dma_start3A_30] : memref<100000x128xf32, #tpu.memory_space<hbm>> -> memref<100000x128xf32, #tpu.memory_space<hbm>>
    tpu.enqueue_indirect_dma source(%dma_start3A_31 : memref<100000x128xf32, #tpu.memory_space<hbm>>) target(%arg12 : memref<128x128xf32, #tpu.memory_space<vmem>>) offsets(%dma_start3A_28 : memref<128xi32, #tpu.memory_space<vmem>>) semaphore(%arg18 : memref<!tpu.dma_semaphore, #tpu.memory_space<semaphore_mem>>)
    %dma_start3A_32 = arith.constant 4 : i32
    %dma_start3A_33 = arith.constant 0 : i32
    %dma_start3A_34 = tpu.memref_slice %arg6[%dma_start3A_32, %dma_start3A_33] : memref<50x128xi32, #tpu.memory_space<vmem>> -> memref<1x128xi32, #tpu.memory_space<vmem>>
    %dma_start3A_35 = tpu.memref_squeeze %dma_start3A_34 : memref<1x128xi32, #tpu.memory_space<vmem>> -> memref<128xi32, #tpu.memory_space<vmem>>
    %dma_start3A_36 = arith.constant 0 : i32
    %dma_start3A_37 = arith.constant 0 : i32
    %dma_start3A_38 = tpu.memref_slice %arg4[%dma_start3A_36, %dma_start3A_37] : memref<100000x128xf32, #tpu.memory_space<hbm>> -> memref<100000x128xf32, #tpu.memory_space<hbm>>
    tpu.enqueue_indirect_dma source(%dma_start3A_38 : memref<100000x128xf32, #tpu.memory_space<hbm>>) target(%arg13 : memref<128x128xf32, #tpu.memory_space<vmem>>) offsets(%dma_start3A_35 : memref<128xi32, #tpu.memory_space<vmem>>) semaphore(%arg19 : memref<!tpu.dma_semaphore, #tpu.memory_space<semaphore_mem>>)
    %broadcast_in_dim3A = arith.constant 0.000000e+00 : f32
    %broadcast_in_dim3A_39 = vector.broadcast %broadcast_in_dim3A : f32 to vector<16xf32>
    %scan3A = arith.constant 0 : i32
    %scan3A_40 = arith.constant 0 : i32
    %scan3A_41 = arith.constant 128 : i32
    %scan3A_42 = arith.addi %scan3A_40, %scan3A_41 : i32
    %scan3A_43 = arith.constant 1 : i32
    scf.for %scan3A_51 = %scan3A_40 to %scan3A_42 step %scan3A_43  : i32 {
      %swap3A = arith.index_cast %scan3A_51 : i32 to index
      %swap3A_52 = arith.constant 0 : index
      %swap3A_53 = tpu.vector_load %arg8[%swap3A, %swap3A_52] {strides = array<i32>} : memref<128x128xf32, #tpu.memory_space<vmem>>, vector<1x16xf32>,
      %swap3A_54 = vector.shape_cast %swap3A_53 : vector<1x16xf32> to vector<16xf32>
      %swap3A_55 = vector.shape_cast %broadcast_in_dim3A_39 : vector<16xf32> to vector<1x16xf32>
      tpu.vector_store %arg8[%swap3A, %swap3A_52], %swap3A_55 {strides = array<i32>} : memref<128x128xf32, #tpu.memory_space<vmem>>, vector<1x16xf32>,
      %swap3A_56 = arith.index_cast %scan3A_51 : i32 to index
      %swap3A_57 = arith.constant 16 : index
      %swap3A_58 = tpu.vector_load %arg8[%swap3A_56, %swap3A_57] {strides = array<i32>} : memref<128x128xf32, #tpu.memory_space<vmem>>, vector<1x16xf32>,
      %swap3A_59 = vector.shape_cast %swap3A_58 : vector<1x16xf32> to vector<16xf32>
      %swap3A_60 = vector.shape_cast %broadcast_in_dim3A_39 : vector<16xf32> to vector<1x16xf32>
      tpu.vector_store %arg8[%swap3A_56, %swap3A_57], %swap3A_60 {strides = array<i32>} : memref<128x128xf32, #tpu.memory_space<vmem>>, vector<1x16xf32>,
      %swap3A_61 = arith.index_cast %scan3A_51 : i32 to index
      %swap3A_62 = arith.constant 32 : index
      %swap3A_63 = tpu.vector_load %arg8[%swap3A_61, %swap3A_62] {strides = array<i32>} : memref<128x128xf32, #tpu.memory_space<vmem>>, vector<1x16xf32>,
      %swap3A_64 = vector.shape_cast %swap3A_63 : vector<1x16xf32> to vector<16xf32>
      %swap3A_65 = vector.shape_cast %broadcast_in_dim3A_39 : vector<16xf32> to vector<1x16xf32>
      tpu.vector_store %arg8[%swap3A_61, %swap3A_62], %swap3A_65 {strides = array<i32>} : memref<128x128xf32, #tpu.memory_space<vmem>>, vector<1x16xf32>,
      %swap3A_66 = arith.index_cast %scan3A_51 : i32 to index
      %swap3A_67 = arith.constant 48 : index
      %swap3A_68 = tpu.vector_load %arg8[%swap3A_66, %swap3A_67] {strides = array<i32>} : memref<128x128xf32, #tpu.memory_space<vmem>>, vector<1x16xf32>,
      %swap3A_69 = vector.shape_cast %swap3A_68 : vector<1x16xf32> to vector<16xf32>
      %swap3A_70 = vector.shape_cast %broadcast_in_dim3A_39 : vector<16xf32> to vector<1x16xf32>
      tpu.vector_store %arg8[%swap3A_66, %swap3A_67], %swap3A_70 {strides = array<i32>} : memref<128x128xf32, #tpu.memory_space<vmem>>, vector<1x16xf32>,
      %swap3A_71 = arith.index_cast %scan3A_51 : i32 to index
      %swap3A_72 = arith.constant 64 : index
      %swap3A_73 = tpu.vector_load %arg8[%swap3A_71, %swap3A_72] {strides = array<i32>} : memref<128x128xf32, #tpu.memory_space<vmem>>, vector<1x16xf32>,
      %swap3A_74 = vector.shape_cast %swap3A_73 : vector<1x16xf32> to vector<16xf32>
      %swap3A_75 = vector.shape_cast %broadcast_in_dim3A_39 : vector<16xf32> to vector<1x16xf32>
      tpu.vector_store %arg8[%swap3A_71, %swap3A_72], %swap3A_75 {strides = array<i32>} : memref<128x128xf32, #tpu.memory_space<vmem>>, vector<1x16xf32>,
      %swap3A_76 = arith.index_cast %scan3A_51 : i32 to index
      %swap3A_77 = arith.constant 80 : index
      %swap3A_78 = tpu.vector_load %arg8[%swap3A_76, %swap3A_77] {strides = array<i32>} : memref<128x128xf32, #tpu.memory_space<vmem>>, vector<1x16xf32>,
      %swap3A_79 = vector.shape_cast %swap3A_78 : vector<1x16xf32> to vector<16xf32>
      %swap3A_80 = vector.shape_cast %broadcast_in_dim3A_39 : vector<16xf32> to vector<1x16xf32>
      tpu.vector_store %arg8[%swap3A_76, %swap3A_77], %swap3A_80 {strides = array<i32>} : memref<128x128xf32, #tpu.memory_space<vmem>>, vector<1x16xf32>,
      %swap3A_81 = arith.index_cast %scan3A_51 : i32 to index
      %swap3A_82 = arith.constant 96 : index
      %swap3A_83 = tpu.vector_load %arg8[%swap3A_81, %swap3A_82] {strides = array<i32>} : memref<128x128xf32, #tpu.memory_space<vmem>>, vector<1x16xf32>,
      %swap3A_84 = vector.shape_cast %swap3A_83 : vector<1x16xf32> to vector<16xf32>
      %swap3A_85 = vector.shape_cast %broadcast_in_dim3A_39 : vector<16xf32> to vector<1x16xf32>
      tpu.vector_store %arg8[%swap3A_81, %swap3A_82], %swap3A_85 {strides = array<i32>} : memref<128x128xf32, #tpu.memory_space<vmem>>, vector<1x16xf32>,
      %swap3A_86 = arith.index_cast %scan3A_51 : i32 to index
      %swap3A_87 = arith.constant 112 : index
      %swap3A_88 = tpu.vector_load %arg8[%swap3A_86, %swap3A_87] {strides = array<i32>} : memref<128x128xf32, #tpu.memory_space<vmem>>, vector<1x16xf32>,
      %swap3A_89 = vector.shape_cast %swap3A_88 : vector<1x16xf32> to vector<16xf32>
      %swap3A_90 = vector.shape_cast %broadcast_in_dim3A_39 : vector<16xf32> to vector<1x16xf32>
      tpu.vector_store %arg8[%swap3A_86, %swap3A_87], %swap3A_90 {strides = array<i32>} : memref<128x128xf32, #tpu.memory_space<vmem>>, vector<1x16xf32>,
    }
    %scan3A_44 = arith.constant 128 : i32
    "tpu.region"() ({
      %run_scoped3A = tpu.sem_alloc : memref<!tpu.dma_semaphore, #tpu.memory_space<semaphore_mem>>
      %dma_start3A_51 = arith.constant 0 : i32
      %dma_start3A_52 = tpu.memref_slice %arg14[%mul3A_4, %dma_start3A_51] : memref<2048x128xf32, #tpu.memory_space<vmem_shared>> -> memref<128x128xf32, #tpu.memory_space<vmem_shared>>
      %dma_start3A_53 = arith.constant 0 : i32
      %dma_start3A_54 = tpu.memref_slice %arg14[%mul3A_4, %dma_start3A_53] : memref<2048x128xf32, #tpu.memory_space<vmem_shared>> -> memref<128x128xf32, #tpu.memory_space<vmem_shared>>
      tpu.enqueue_dma source(%arg8 : memref<128x128xf32, #tpu.memory_space<vmem>>) target(%dma_start3A_54 : memref<128x128xf32, #tpu.memory_space<vmem_shared>>) target_semaphore(%run_scoped3A : memref<!tpu.dma_semaphore, #tpu.memory_space<semaphore_mem>>)
      %dma_wait3A = arith.constant 0 : i32
      %dma_wait3A_55 = tpu.memref_slice %arg14[%mul3A_4, %dma_wait3A] : memref<2048x128xf32, #tpu.memory_space<vmem_shared>> -> memref<128x128xf32, #tpu.memory_space<vmem_shared>>
      %dma_wait3A_56 = arith.constant 0 : i32
      %dma_wait3A_57 = tpu.memref_slice %arg14[%mul3A_4, %dma_wait3A_56] : memref<2048x128xf32, #tpu.memory_space<vmem_shared>> -> memref<128x128xf32, #tpu.memory_space<vmem_shared>>
      tpu.wait_dma2 semaphore(%run_scoped3A : memref<!tpu.dma_semaphore, #tpu.memory_space<semaphore_mem>>) src(%arg8 : memref<128x128xf32, #tpu.memory_space<vmem>>) dst(%dma_wait3A_57 : memref<128x128xf32, #tpu.memory_space<vmem_shared>>)
      tpu.yield
    }) : () -> ()
    %scan3A_45 = arith.constant 0 : i32
    %scan3A_46 = arith.constant 0 : i32
    %scan3A_47 = arith.constant 10 : i32
    %scan3A_48 = arith.addi %scan3A_46, %scan3A_47 : i32
    %scan3A_49 = arith.constant 1 : i32
    scf.for %scan3A_51 = %scan3A_46 to %scan3A_48 step %scan3A_49  : i32 {
      %mul3A_52 = arith.constant 5 : i32
      %mul3A_53 = arith.muli %scan3A_51, %mul3A_52 : i32
      %add3A_54 = arith.constant 0 : i32
      %add3A_55 = arith.addi %mul3A_53, %add3A_54 : i32
      %dma_wait3A = arith.constant 0 : i32
      %dma_wait3A_56 = tpu.memref_slice %arg6[%add3A_55, %dma_wait3A] : memref<50x128xi32, #tpu.memory_space<vmem>> -> memref<1x128xi32, #tpu.memory_space<vmem>>
      %dma_wait3A_57 = tpu.memref_squeeze %dma_wait3A_56 : memref<1x128xi32, #tpu.memory_space<vmem>> -> memref<128xi32, #tpu.memory_space<vmem>>
      %dma_wait3A_58 = arith.constant 0 : i32
      %dma_wait3A_59 = arith.constant 0 : i32
      %dma_wait3A_60 = tpu.memref_slice %arg4[%dma_wait3A_58, %dma_wait3A_59] : memref<100000x128xf32, #tpu.memory_space<hbm>> -> memref<100000x128xf32, #tpu.memory_space<hbm>>
      tpu.wait_indirect_dma semaphore(%arg15 : memref<!tpu.dma_semaphore, #tpu.memory_space<semaphore_mem>>) src(%dma_wait3A_60 : memref<100000x128xf32, #tpu.memory_space<hbm>>) dst(%arg9 : memref<128x128xf32, #tpu.memory_space<vmem>>)
      "tpu.region"() ({
        %run_scoped3A = tpu.sem_alloc : memref<!tpu.dma_semaphore, #tpu.memory_space<semaphore_mem>>
        %dma_start3A_123 = arith.constant 0 : i32
        %dma_start3A_124 = tpu.memref_slice %arg7[%add3A_55, %dma_start3A_123] : memref<50x128xi32, #tpu.memory_space<vmem>> -> memref<1x128xi32, #tpu.memory_space<vmem>>
        %dma_start3A_125 = tpu.memref_squeeze %dma_start3A_124 : memref<1x128xi32, #tpu.memory_space<vmem>> -> memref<128xi32, #tpu.memory_space<vmem>>
        %dma_start3A_126 = arith.constant 0 : i32
        %dma_start3A_127 = arith.constant 0 : i32
        %dma_start3A_128 = tpu.memref_slice %arg14[%dma_start3A_126, %dma_start3A_127] : memref<2048x128xf32, #tpu.memory_space<vmem_shared>> -> memref<2048x128xf32, #tpu.memory_space<vmem_shared>>
        tpu.enqueue_indirect_dma source(%arg9 : memref<128x128xf32, #tpu.memory_space<vmem>>) target(%dma_start3A_128 : memref<2048x128xf32, #tpu.memory_space<vmem_shared>>) offsets(%dma_start3A_125 : memref<128xi32, #tpu.memory_space<vmem>>) semaphore(%run_scoped3A : memref<!tpu.dma_semaphore, #tpu.memory_space<semaphore_mem>>) {add = true}
        %dma_wait3A_129 = arith.constant 0 : i32
        %dma_wait3A_130 = tpu.memref_slice %arg7[%add3A_55, %dma_wait3A_129] : memref<50x128xi32, #tpu.memory_space<vmem>> -> memref<1x128xi32, #tpu.memory_space<vmem>>
        %dma_wait3A_131 = tpu.memref_squeeze %dma_wait3A_130 : memref<1x128xi32, #tpu.memory_space<vmem>> -> memref<128xi32, #tpu.memory_space<vmem>>
        %dma_wait3A_132 = arith.constant 0 : i32
        %dma_wait3A_133 = arith.constant 0 : i32
        %dma_wait3A_134 = tpu.memref_slice %arg14[%dma_wait3A_132, %dma_wait3A_133] : memref<2048x128xf32, #tpu.memory_space<vmem_shared>> -> memref<2048x128xf32, #tpu.memory_space<vmem_shared>>
        tpu.wait_indirect_dma semaphore(%run_scoped3A : memref<!tpu.dma_semaphore, #tpu.memory_space<semaphore_mem>>) src(%arg9 : memref<128x128xf32, #tpu.memory_space<vmem>>) dst(%dma_wait3A_134 : memref<2048x128xf32, #tpu.memory_space<vmem_shared>>)
        tpu.yield
      }) : () -> ()
      %lt3A = arith.constant 9 : i32
      %lt3A_61 = arith.cmpi slt, %scan3A_51, %lt3A : i32
      %convert_element_type3A = arith.extui %lt3A_61 : i1 to i32
      %cond3A = arith.constant 0 : i32
      %cond3A_62 = arith.cmpi ne, %convert_element_type3A, %cond3A : i32
      scf.if %cond3A_62 {
        %add3A_123 = arith.constant 5 : i32
        %add3A_124 = arith.addi %add3A_55, %add3A_123 : i32
        %dma_start3A_125 = arith.constant 0 : i32
        %dma_start3A_126 = tpu.memref_slice %arg6[%add3A_124, %dma_start3A_125] : memref<50x128xi32, #tpu.memory_space<vmem>> -> memref<1x128xi32, #tpu.memory_space<vmem>>
        %dma_start3A_127 = tpu.memref_squeeze %dma_start3A_126 : memref<1x128xi32, #tpu.memory_space<vmem>> -> memref<128xi32, #tpu.memory_space<vmem>>
        %dma_start3A_128 = arith.constant 0 : i32
        %dma_start3A_129 = arith.constant 0 : i32
        %dma_start3A_130 = tpu.memref_slice %arg4[%dma_start3A_128, %dma_start3A_129] : memref<100000x128xf32, #tpu.memory_space<hbm>> -> memref<100000x128xf32, #tpu.memory_space<hbm>>
        tpu.enqueue_indirect_dma source(%dma_start3A_130 : memref<100000x128xf32, #tpu.memory_space<hbm>>) target(%arg9 : memref<128x128xf32, #tpu.memory_space<vmem>>) offsets(%dma_start3A_127 : memref<128xi32, #tpu.memory_space<vmem>>) semaphore(%arg15 : memref<!tpu.dma_semaphore, #tpu.memory_space<semaphore_mem>>)
      } else {
      }
      %mul3A_63 = arith.constant 5 : i32
      %mul3A_64 = arith.muli %scan3A_51, %mul3A_63 : i32
      %add3A_65 = arith.constant 1 : i32
      %add3A_66 = arith.addi %mul3A_64, %add3A_65 : i32
      %dma_wait3A_67 = arith.constant 0 : i32
      %dma_wait3A_68 = tpu.memref_slice %arg6[%add3A_66, %dma_wait3A_67] : memref<50x128xi32, #tpu.memory_space<vmem>> -> memref<1x128xi32, #tpu.memory_space<vmem>>
      %dma_wait3A_69 = tpu.memref_squeeze %dma_wait3A_68 : memref<1x128xi32, #tpu.memory_space<vmem>> -> memref<128xi32, #tpu.memory_space<vmem>>
      %dma_wait3A_70 = arith.constant 0 : i32
      %dma_wait3A_71 = arith.constant 0 : i32
      %dma_wait3A_72 = tpu.memref_slice %arg4[%dma_wait3A_70, %dma_wait3A_71] : memref<100000x128xf32, #tpu.memory_space<hbm>> -> memref<100000x128xf32, #tpu.memory_space<hbm>>
      tpu.wait_indirect_dma semaphore(%arg16 : memref<!tpu.dma_semaphore, #tpu.memory_space<semaphore_mem>>) src(%dma_wait3A_72 : memref<100000x128xf32, #tpu.memory_space<hbm>>) dst(%arg10 : memref<128x128xf32, #tpu.memory_space<vmem>>)
      "tpu.region"() ({
        %run_scoped3A = tpu.sem_alloc : memref<!tpu.dma_semaphore, #tpu.memory_space<semaphore_mem>>
        %dma_start3A_123 = arith.constant 0 : i32
        %dma_start3A_124 = tpu.memref_slice %arg7[%add3A_66, %dma_start3A_123] : memref<50x128xi32, #tpu.memory_space<vmem>> -> memref<1x128xi32, #tpu.memory_space<vmem>>
        %dma_start3A_125 = tpu.memref_squeeze %dma_start3A_124 : memref<1x128xi32, #tpu.memory_space<vmem>> -> memref<128xi32, #tpu.memory_space<vmem>>
        %dma_start3A_126 = arith.constant 0 : i32
        %dma_start3A_127 = arith.constant 0 : i32
        %dma_start3A_128 = tpu.memref_slice %arg14[%dma_start3A_126, %dma_start3A_127] : memref<2048x128xf32, #tpu.memory_space<vmem_shared>> -> memref<2048x128xf32, #tpu.memory_space<vmem_shared>>
        tpu.enqueue_indirect_dma source(%arg10 : memref<128x128xf32, #tpu.memory_space<vmem>>) target(%dma_start3A_128 : memref<2048x128xf32, #tpu.memory_space<vmem_shared>>) offsets(%dma_start3A_125 : memref<128xi32, #tpu.memory_space<vmem>>) semaphore(%run_scoped3A : memref<!tpu.dma_semaphore, #tpu.memory_space<semaphore_mem>>) {add = true}
        %dma_wait3A_129 = arith.constant 0 : i32
        %dma_wait3A_130 = tpu.memref_slice %arg7[%add3A_66, %dma_wait3A_129] : memref<50x128xi32, #tpu.memory_space<vmem>> -> memref<1x128xi32, #tpu.memory_space<vmem>>
        %dma_wait3A_131 = tpu.memref_squeeze %dma_wait3A_130 : memref<1x128xi32, #tpu.memory_space<vmem>> -> memref<128xi32, #tpu.memory_space<vmem>>
        %dma_wait3A_132 = arith.constant 0 : i32
        %dma_wait3A_133 = arith.constant 0 : i32
        %dma_wait3A_134 = tpu.memref_slice %arg14[%dma_wait3A_132, %dma_wait3A_133] : memref<2048x128xf32, #tpu.memory_space<vmem_shared>> -> memref<2048x128xf32, #tpu.memory_space<vmem_shared>>
        tpu.wait_indirect_dma semaphore(%run_scoped3A : memref<!tpu.dma_semaphore, #tpu.memory_space<semaphore_mem>>) src(%arg10 : memref<128x128xf32, #tpu.memory_space<vmem>>) dst(%dma_wait3A_134 : memref<2048x128xf32, #tpu.memory_space<vmem_shared>>)
        tpu.yield
      }) : () -> ()
      %lt3A_73 = arith.constant 9 : i32
      %lt3A_74 = arith.cmpi slt, %scan3A_51, %lt3A_73 : i32
      %convert_element_type3A_75 = arith.extui %lt3A_74 : i1 to i32
      %cond3A_76 = arith.constant 0 : i32
      %cond3A_77 = arith.cmpi ne, %convert_element_type3A_75, %cond3A_76 : i32
      scf.if %cond3A_77 {
        %add3A_123 = arith.constant 5 : i32
        %add3A_124 = arith.addi %add3A_66, %add3A_123 : i32
        %dma_start3A_125 = arith.constant 0 : i32
        %dma_start3A_126 = tpu.memref_slice %arg6[%add3A_124, %dma_start3A_125] : memref<50x128xi32, #tpu.memory_space<vmem>> -> memref<1x128xi32, #tpu.memory_space<vmem>>
        %dma_start3A_127 = tpu.memref_squeeze %dma_start3A_126 : memref<1x128xi32, #tpu.memory_space<vmem>> -> memref<128xi32, #tpu.memory_space<vmem>>
        %dma_start3A_128 = arith.constant 0 : i32
        %dma_start3A_129 = arith.constant 0 : i32
        %dma_start3A_130 = tpu.memref_slice %arg4[%dma_start3A_128, %dma_start3A_129] : memref<100000x128xf32, #tpu.memory_space<hbm>> -> memref<100000x128xf32, #tpu.memory_space<hbm>>
        tpu.enqueue_indirect_dma source(%dma_start3A_130 : memref<100000x128xf32, #tpu.memory_space<hbm>>) target(%arg10 : memref<128x128xf32, #tpu.memory_space<vmem>>) offsets(%dma_start3A_127 : memref<128xi32, #tpu.memory_space<vmem>>) semaphore(%arg16 : memref<!tpu.dma_semaphore, #tpu.memory_space<semaphore_mem>>)
      } else {
      }
      %mul3A_78 = arith.constant 5 : i32
      %mul3A_79 = arith.muli %scan3A_51, %mul3A_78 : i32
      %add3A_80 = arith.constant 2 : i32
      %add3A_81 = arith.addi %mul3A_79, %add3A_80 : i32
      %dma_wait3A_82 = arith.constant 0 : i32
      %dma_wait3A_83 = tpu.memref_slice %arg6[%add3A_81, %dma_wait3A_82] : memref<50x128xi32, #tpu.memory_space<vmem>> -> memref<1x128xi32, #tpu.memory_space<vmem>>
      %dma_wait3A_84 = tpu.memref_squeeze %dma_wait3A_83 : memref<1x128xi32, #tpu.memory_space<vmem>> -> memref<128xi32, #tpu.memory_space<vmem>>
      %dma_wait3A_85 = arith.constant 0 : i32
      %dma_wait3A_86 = arith.constant 0 : i32
      %dma_wait3A_87 = tpu.memref_slice %arg4[%dma_wait3A_85, %dma_wait3A_86] : memref<100000x128xf32, #tpu.memory_space<hbm>> -> memref<100000x128xf32, #tpu.memory_space<hbm>>
      tpu.wait_indirect_dma semaphore(%arg17 : memref<!tpu.dma_semaphore, #tpu.memory_space<semaphore_mem>>) src(%dma_wait3A_87 : memref<100000x128xf32, #tpu.memory_space<hbm>>) dst(%arg11 : memref<128x128xf32, #tpu.memory_space<vmem>>)
      "tpu.region"() ({
        %run_scoped3A = tpu.sem_alloc : memref<!tpu.dma_semaphore, #tpu.memory_space<semaphore_mem>>
        %dma_start3A_123 = arith.constant 0 : i32
        %dma_start3A_124 = tpu.memref_slice %arg7[%add3A_81, %dma_start3A_123] : memref<50x128xi32, #tpu.memory_space<vmem>> -> memref<1x128xi32, #tpu.memory_space<vmem>>
        %dma_start3A_125 = tpu.memref_squeeze %dma_start3A_124 : memref<1x128xi32, #tpu.memory_space<vmem>> -> memref<128xi32, #tpu.memory_space<vmem>>
        %dma_start3A_126 = arith.constant 0 : i32
        %dma_start3A_127 = arith.constant 0 : i32
        %dma_start3A_128 = tpu.memref_slice %arg14[%dma_start3A_126, %dma_start3A_127] : memref<2048x128xf32, #tpu.memory_space<vmem_shared>> -> memref<2048x128xf32, #tpu.memory_space<vmem_shared>>
        tpu.enqueue_indirect_dma source(%arg11 : memref<128x128xf32, #tpu.memory_space<vmem>>) target(%dma_start3A_128 : memref<2048x128xf32, #tpu.memory_space<vmem_shared>>) offsets(%dma_start3A_125 : memref<128xi32, #tpu.memory_space<vmem>>) semaphore(%run_scoped3A : memref<!tpu.dma_semaphore, #tpu.memory_space<semaphore_mem>>) {add = true}
        %dma_wait3A_129 = arith.constant 0 : i32
        %dma_wait3A_130 = tpu.memref_slice %arg7[%add3A_81, %dma_wait3A_129] : memref<50x128xi32, #tpu.memory_space<vmem>> -> memref<1x128xi32, #tpu.memory_space<vmem>>
        %dma_wait3A_131 = tpu.memref_squeeze %dma_wait3A_130 : memref<1x128xi32, #tpu.memory_space<vmem>> -> memref<128xi32, #tpu.memory_space<vmem>>
        %dma_wait3A_132 = arith.constant 0 : i32
        %dma_wait3A_133 = arith.constant 0 : i32
        %dma_wait3A_134 = tpu.memref_slice %arg14[%dma_wait3A_132, %dma_wait3A_133] : memref<2048x128xf32, #tpu.memory_space<vmem_shared>> -> memref<2048x128xf32, #tpu.memory_space<vmem_shared>>
        tpu.wait_indirect_dma semaphore(%run_scoped3A : memref<!tpu.dma_semaphore, #tpu.memory_space<semaphore_mem>>) src(%arg11 : memref<128x128xf32, #tpu.memory_space<vmem>>) dst(%dma_wait3A_134 : memref<2048x128xf32, #tpu.memory_space<vmem_shared>>)
        tpu.yield
      }) : () -> ()
      %lt3A_88 = arith.constant 9 : i32
      %lt3A_89 = arith.cmpi slt, %scan3A_51, %lt3A_88 : i32
      %convert_element_type3A_90 = arith.extui %lt3A_89 : i1 to i32
      %cond3A_91 = arith.constant 0 : i32
      %cond3A_92 = arith.cmpi ne, %convert_element_type3A_90, %cond3A_91 : i32
      scf.if %cond3A_92 {
        %add3A_123 = arith.constant 5 : i32
        %add3A_124 = arith.addi %add3A_81, %add3A_123 : i32
        %dma_start3A_125 = arith.constant 0 : i32
        %dma_start3A_126 = tpu.memref_slice %arg6[%add3A_124, %dma_start3A_125] : memref<50x128xi32, #tpu.memory_space<vmem>> -> memref<1x128xi32, #tpu.memory_space<vmem>>
        %dma_start3A_127 = tpu.memref_squeeze %dma_start3A_126 : memref<1x128xi32, #tpu.memory_space<vmem>> -> memref<128xi32, #tpu.memory_space<vmem>>
        %dma_start3A_128 = arith.constant 0 : i32
        %dma_start3A_129 = arith.constant 0 : i32
        %dma_start3A_130 = tpu.memref_slice %arg4[%dma_start3A_128, %dma_start3A_129] : memref<100000x128xf32, #tpu.memory_space<hbm>> -> memref<100000x128xf32, #tpu.memory_space<hbm>>
        tpu.enqueue_indirect_dma source(%dma_start3A_130 : memref<100000x128xf32, #tpu.memory_space<hbm>>) target(%arg11 : memref<128x128xf32, #tpu.memory_space<vmem>>) offsets(%dma_start3A_127 : memref<128xi32, #tpu.memory_space<vmem>>) semaphore(%arg17 : memref<!tpu.dma_semaphore, #tpu.memory_space<semaphore_mem>>)
      } else {
      }
      %mul3A_93 = arith.constant 5 : i32
      %mul3A_94 = arith.muli %scan3A_51, %mul3A_93 : i32
      %add3A_95 = arith.constant 3 : i32
      %add3A_96 = arith.addi %mul3A_94, %add3A_95 : i32
      %dma_wait3A_97 = arith.constant 0 : i32
      %dma_wait3A_98 = tpu.memref_slice %arg6[%add3A_96, %dma_wait3A_97] : memref<50x128xi32, #tpu.memory_space<vmem>> -> memref<1x128xi32, #tpu.memory_space<vmem>>
      %dma_wait3A_99 = tpu.memref_squeeze %dma_wait3A_98 : memref<1x128xi32, #tpu.memory_space<vmem>> -> memref<128xi32, #tpu.memory_space<vmem>>
      %dma_wait3A_100 = arith.constant 0 : i32
      %dma_wait3A_101 = arith.constant 0 : i32
      %dma_wait3A_102 = tpu.memref_slice %arg4[%dma_wait3A_100, %dma_wait3A_101] : memref<100000x128xf32, #tpu.memory_space<hbm>> -> memref<100000x128xf32, #tpu.memory_space<hbm>>
      tpu.wait_indirect_dma semaphore(%arg18 : memref<!tpu.dma_semaphore, #tpu.memory_space<semaphore_mem>>) src(%dma_wait3A_102 : memref<100000x128xf32, #tpu.memory_space<hbm>>) dst(%arg12 : memref<128x128xf32, #tpu.memory_space<vmem>>)
      "tpu.region"() ({
        %run_scoped3A = tpu.sem_alloc : memref<!tpu.dma_semaphore, #tpu.memory_space<semaphore_mem>>
        %dma_start3A_123 = arith.constant 0 : i32
        %dma_start3A_124 = tpu.memref_slice %arg7[%add3A_96, %dma_start3A_123] : memref<50x128xi32, #tpu.memory_space<vmem>> -> memref<1x128xi32, #tpu.memory_space<vmem>>
        %dma_start3A_125 = tpu.memref_squeeze %dma_start3A_124 : memref<1x128xi32, #tpu.memory_space<vmem>> -> memref<128xi32, #tpu.memory_space<vmem>>
        %dma_start3A_126 = arith.constant 0 : i32
        %dma_start3A_127 = arith.constant 0 : i32
        %dma_start3A_128 = tpu.memref_slice %arg14[%dma_start3A_126, %dma_start3A_127] : memref<2048x128xf32, #tpu.memory_space<vmem_shared>> -> memref<2048x128xf32, #tpu.memory_space<vmem_shared>>
        tpu.enqueue_indirect_dma source(%arg12 : memref<128x128xf32, #tpu.memory_space<vmem>>) target(%dma_start3A_128 : memref<2048x128xf32, #tpu.memory_space<vmem_shared>>) offsets(%dma_start3A_125 : memref<128xi32, #tpu.memory_space<vmem>>) semaphore(%run_scoped3A : memref<!tpu.dma_semaphore, #tpu.memory_space<semaphore_mem>>) {add = true}
        %dma_wait3A_129 = arith.constant 0 : i32
        %dma_wait3A_130 = tpu.memref_slice %arg7[%add3A_96, %dma_wait3A_129] : memref<50x128xi32, #tpu.memory_space<vmem>> -> memref<1x128xi32, #tpu.memory_space<vmem>>
        %dma_wait3A_131 = tpu.memref_squeeze %dma_wait3A_130 : memref<1x128xi32, #tpu.memory_space<vmem>> -> memref<128xi32, #tpu.memory_space<vmem>>
        %dma_wait3A_132 = arith.constant 0 : i32
        %dma_wait3A_133 = arith.constant 0 : i32
        %dma_wait3A_134 = tpu.memref_slice %arg14[%dma_wait3A_132, %dma_wait3A_133] : memref<2048x128xf32, #tpu.memory_space<vmem_shared>> -> memref<2048x128xf32, #tpu.memory_space<vmem_shared>>
        tpu.wait_indirect_dma semaphore(%run_scoped3A : memref<!tpu.dma_semaphore, #tpu.memory_space<semaphore_mem>>) src(%arg12 : memref<128x128xf32, #tpu.memory_space<vmem>>) dst(%dma_wait3A_134 : memref<2048x128xf32, #tpu.memory_space<vmem_shared>>)
        tpu.yield
      }) : () -> ()
      %lt3A_103 = arith.constant 9 : i32
      %lt3A_104 = arith.cmpi slt, %scan3A_51, %lt3A_103 : i32
      %convert_element_type3A_105 = arith.extui %lt3A_104 : i1 to i32
      %cond3A_106 = arith.constant 0 : i32
      %cond3A_107 = arith.cmpi ne, %convert_element_type3A_105, %cond3A_106 : i32
      scf.if %cond3A_107 {
        %add3A_123 = arith.constant 5 : i32
        %add3A_124 = arith.addi %add3A_96, %add3A_123 : i32
        %dma_start3A_125 = arith.constant 0 : i32
        %dma_start3A_126 = tpu.memref_slice %arg6[%add3A_124, %dma_start3A_125] : memref<50x128xi32, #tpu.memory_space<vmem>> -> memref<1x128xi32, #tpu.memory_space<vmem>>
        %dma_start3A_127 = tpu.memref_squeeze %dma_start3A_126 : memref<1x128xi32, #tpu.memory_space<vmem>> -> memref<128xi32, #tpu.memory_space<vmem>>
        %dma_start3A_128 = arith.constant 0 : i32
        %dma_start3A_129 = arith.constant 0 : i32
        %dma_start3A_130 = tpu.memref_slice %arg4[%dma_start3A_128, %dma_start3A_129] : memref<100000x128xf32, #tpu.memory_space<hbm>> -> memref<100000x128xf32, #tpu.memory_space<hbm>>
        tpu.enqueue_indirect_dma source(%dma_start3A_130 : memref<100000x128xf32, #tpu.memory_space<hbm>>) target(%arg12 : memref<128x128xf32, #tpu.memory_space<vmem>>) offsets(%dma_start3A_127 : memref<128xi32, #tpu.memory_space<vmem>>) semaphore(%arg18 : memref<!tpu.dma_semaphore, #tpu.memory_space<semaphore_mem>>)
      } else {
      }
      %mul3A_108 = arith.constant 5 : i32
      %mul3A_109 = arith.muli %scan3A_51, %mul3A_108 : i32
      %add3A_110 = arith.constant 4 : i32
      %add3A_111 = arith.addi %mul3A_109, %add3A_110 : i32
      %dma_wait3A_112 = arith.constant 0 : i32
      %dma_wait3A_113 = tpu.memref_slice %arg6[%add3A_111, %dma_wait3A_112] : memref<50x128xi32, #tpu.memory_space<vmem>> -> memref<1x128xi32, #tpu.memory_space<vmem>>
      %dma_wait3A_114 = tpu.memref_squeeze %dma_wait3A_113 : memref<1x128xi32, #tpu.memory_space<vmem>> -> memref<128xi32, #tpu.memory_space<vmem>>
      %dma_wait3A_115 = arith.constant 0 : i32
      %dma_wait3A_116 = arith.constant 0 : i32
      %dma_wait3A_117 = tpu.memref_slice %arg4[%dma_wait3A_115, %dma_wait3A_116] : memref<100000x128xf32, #tpu.memory_space<hbm>> -> memref<100000x128xf32, #tpu.memory_space<hbm>>
      tpu.wait_indirect_dma semaphore(%arg19 : memref<!tpu.dma_semaphore, #tpu.memory_space<semaphore_mem>>) src(%dma_wait3A_117 : memref<100000x128xf32, #tpu.memory_space<hbm>>) dst(%arg13 : memref<128x128xf32, #tpu.memory_space<vmem>>)
      "tpu.region"() ({
        %run_scoped3A = tpu.sem_alloc : memref<!tpu.dma_semaphore, #tpu.memory_space<semaphore_mem>>
        %dma_start3A_123 = arith.constant 0 : i32
        %dma_start3A_124 = tpu.memref_slice %arg7[%add3A_111, %dma_start3A_123] : memref<50x128xi32, #tpu.memory_space<vmem>> -> memref<1x128xi32, #tpu.memory_space<vmem>>
        %dma_start3A_125 = tpu.memref_squeeze %dma_start3A_124 : memref<1x128xi32, #tpu.memory_space<vmem>> -> memref<128xi32, #tpu.memory_space<vmem>>
        %dma_start3A_126 = arith.constant 0 : i32
        %dma_start3A_127 = arith.constant 0 : i32
        %dma_start3A_128 = tpu.memref_slice %arg14[%dma_start3A_126, %dma_start3A_127] : memref<2048x128xf32, #tpu.memory_space<vmem_shared>> -> memref<2048x128xf32, #tpu.memory_space<vmem_shared>>
        tpu.enqueue_indirect_dma source(%arg13 : memref<128x128xf32, #tpu.memory_space<vmem>>) target(%dma_start3A_128 : memref<2048x128xf32, #tpu.memory_space<vmem_shared>>) offsets(%dma_start3A_125 : memref<128xi32, #tpu.memory_space<vmem>>) semaphore(%run_scoped3A : memref<!tpu.dma_semaphore, #tpu.memory_space<semaphore_mem>>) {add = true}
        %dma_wait3A_129 = arith.constant 0 : i32
        %dma_wait3A_130 = tpu.memref_slice %arg7[%add3A_111, %dma_wait3A_129] : memref<50x128xi32, #tpu.memory_space<vmem>> -> memref<1x128xi32, #tpu.memory_space<vmem>>
        %dma_wait3A_131 = tpu.memref_squeeze %dma_wait3A_130 : memref<1x128xi32, #tpu.memory_space<vmem>> -> memref<128xi32, #tpu.memory_space<vmem>>
        %dma_wait3A_132 = arith.constant 0 : i32
        %dma_wait3A_133 = arith.constant 0 : i32
        %dma_wait3A_134 = tpu.memref_slice %arg14[%dma_wait3A_132, %dma_wait3A_133] : memref<2048x128xf32, #tpu.memory_space<vmem_shared>> -> memref<2048x128xf32, #tpu.memory_space<vmem_shared>>
        tpu.wait_indirect_dma semaphore(%run_scoped3A : memref<!tpu.dma_semaphore, #tpu.memory_space<semaphore_mem>>) src(%arg13 : memref<128x128xf32, #tpu.memory_space<vmem>>) dst(%dma_wait3A_134 : memref<2048x128xf32, #tpu.memory_space<vmem_shared>>)
        tpu.yield
      }) : () -> ()
      %lt3A_118 = arith.constant 9 : i32
      %lt3A_119 = arith.cmpi slt, %scan3A_51, %lt3A_118 : i32
      %convert_element_type3A_120 = arith.extui %lt3A_119 : i1 to i32
      %cond3A_121 = arith.constant 0 : i32
      %cond3A_122 = arith.cmpi ne, %convert_element_type3A_120, %cond3A_121 : i32
      scf.if %cond3A_122 {
        %add3A_123 = arith.constant 5 : i32
        %add3A_124 = arith.addi %add3A_111, %add3A_123 : i32
        %dma_start3A_125 = arith.constant 0 : i32
        %dma_start3A_126 = tpu.memref_slice %arg6[%add3A_124, %dma_start3A_125] : memref<50x128xi32, #tpu.memory_space<vmem>> -> memref<1x128xi32, #tpu.memory_space<vmem>>
        %dma_start3A_127 = tpu.memref_squeeze %dma_start3A_126 : memref<1x128xi32, #tpu.memory_space<vmem>> -> memref<128xi32, #tpu.memory_space<vmem>>
        %dma_start3A_128 = arith.constant 0 : i32
        %dma_start3A_129 = arith.constant 0 : i32
        %dma_start3A_130 = tpu.memref_slice %arg4[%dma_start3A_128, %dma_start3A_129] : memref<100000x128xf32, #tpu.memory_space<hbm>> -> memref<100000x128xf32, #tpu.memory_space<hbm>>
        tpu.enqueue_indirect_dma source(%dma_start3A_130 : memref<100000x128xf32, #tpu.memory_space<hbm>>) target(%arg13 : memref<128x128xf32, #tpu.memory_space<vmem>>) offsets(%dma_start3A_127 : memref<128xi32, #tpu.memory_space<vmem>>) semaphore(%arg19 : memref<!tpu.dma_semaphore, #tpu.memory_space<semaphore_mem>>)
      } else {
      }
    }
    %scan3A_50 = arith.constant 10 : i32
    "tpu.region"() ({
      %run_scoped3A = tpu.sem_alloc : memref<!tpu.dma_semaphore, #tpu.memory_space<semaphore_mem>>
      %dma_start3A_51 = arith.constant 0 : i32
      %dma_start3A_52 = tpu.memref_slice %arg5[%mul3A_2, %dma_start3A_51] : memref<4096x128xf32, #tpu.memory_space<hbm>> -> memref<128x128xf32, #tpu.memory_space<hbm>>
      %dma_start3A_53 = arith.constant 0 : i32
      %dma_start3A_54 = tpu.memref_slice %arg14[%mul3A_4, %dma_start3A_53] : memref<2048x128xf32, #tpu.memory_space<vmem_shared>> -> memref<128x128xf32, #tpu.memory_space<vmem_shared>>
      tpu.enqueue_dma source(%dma_start3A_54 : memref<128x128xf32, #tpu.memory_space<vmem_shared>>) target(%dma_start3A_52 : memref<128x128xf32, #tpu.memory_space<hbm>>) target_semaphore(%run_scoped3A : memref<!tpu.dma_semaphore, #tpu.memory_space<semaphore_mem>>)
      %dma_wait3A = arith.constant 0 : i32
      %dma_wait3A_55 = tpu.memref_slice %arg5[%mul3A_2, %dma_wait3A] : memref<4096x128xf32, #tpu.memory_space<hbm>> -> memref<128x128xf32, #tpu.memory_space<hbm>>
      %dma_wait3A_56 = arith.constant 0 : i32
      %dma_wait3A_57 = tpu.memref_slice %arg14[%mul3A_4, %dma_wait3A_56] : memref<2048x128xf32, #tpu.memory_space<vmem_shared>> -> memref<128x128xf32, #tpu.memory_space<vmem_shared>>
      tpu.wait_dma2 semaphore(%run_scoped3A : memref<!tpu.dma_semaphore, #tpu.memory_space<semaphore_mem>>) src(%dma_wait3A_57 : memref<128x128xf32, #tpu.memory_space<vmem_shared>>) dst(%dma_wait3A_55 : memref<128x128xf32, #tpu.memory_space<hbm>>)
      tpu.yield
    }) : () -> ()
    return
  }
}

module attributes {stable_mosaic.version = 14 : i64} {
  func.func @_tc_finish_kernel(%arg0: i32, %arg1: memref<1024x128xf32, #tpu.memory_space<vmem>>, %arg2: memref<1024x50xi32, #tpu.memory_space<vmem>>, %arg3: memref<1x128xf32, #tpu.memory_space<vmem>>, %arg4: memref<1024x64xf32, #tpu.memory_space<vmem>>, %arg5: memref<1024x64xf32, #tpu.memory_space<vmem>>, %arg6: memref<1024x64xf32, #tpu.memory_space<vmem>>, %arg7: memref<1024x64xf32, #tpu.memory_space<vmem>>, %arg8: memref<1024x64xf32, #tpu.memory_space<vmem>>, %arg9: memref<1024x64xf32, #tpu.memory_space<vmem>>) attributes {dimension_semantics = [#tpu.dimension_semantics<arbitrary>], iteration_bounds = array<i64: 4>, scalar_prefetch = 0 : i64, scratch_operands = 0 : i64, tpu.core_type = #tpu.core_type<tc>, window_params = [{transform_indices = @transform_0, window_bounds = array<i64: 1024, 128>}, {transform_indices = @transform_1, window_bounds = array<i64: 1024, 50>}, {pipeline_mode = #tpu.pipeline_mode<synchronous>, transform_indices = @transform_2, window_bounds = array<i64: 1, 128>}, {transform_indices = @transform_3, window_bounds = array<i64: 1024, 64>}, {transform_indices = @transform_4, window_bounds = array<i64: 1024, 64>}, {transform_indices = @transform_5, window_bounds = array<i64: 1024, 64>}, {transform_indices = @transform_6, window_bounds = array<i64: 1024, 64>}, {transform_indices = @transform_7, window_bounds = array<i64: 1024, 64>}, {transform_indices = @transform_8, window_bounds = array<i64: 1024, 64>}]} {
    %get3A = arith.constant 0 : index
    %get3A_0 = arith.constant 0 : index
    %get3A_1 = vector.load %arg1[%get3A, %get3A_0] : memref<1024x128xf32, #tpu.memory_space<vmem>>, vector<1024x128xf32>
    %get3A_2 = arith.constant 0 : index
    %get3A_3 = arith.constant 0 : index
    %get3A_4 = vector.load %arg2[%get3A_2, %get3A_3] : memref<1024x50xi32, #tpu.memory_space<vmem>>, vector<1024x50xi32>
    %get3A_5 = arith.constant 0 : index
    %get3A_6 = arith.constant 0 : index
    %get3A_7 = vector.load %arg3[%get3A_5, %get3A_6] : memref<1x128xf32, #tpu.memory_space<vmem>>, vector<1x128xf32>
    %eq3A = arith.constant 0 : i32
    %eq3A_8 = vector.broadcast %eq3A : i32 to vector<1024x50xi32>
    %eq3A_9 = arith.cmpi eq, %get3A_4, %eq3A_8 : vector<1024x50xi32>
    %convert_element_type3A = arith.extui %eq3A_9 : vector<1024x50xi1> to vector<1024x50xi32>
    %convert_element_type3A_10 = arith.sitofp %convert_element_type3A : vector<1024x50xi32> to vector<1024x50xf32>
    %reduce_sum3A = arith.constant dense<0.000000e+00> : vector<1024xf32>
    %reduce_sum3A_11 = vector.multi_reduction <add>, %convert_element_type3A_10, %reduce_sum3A [1] : vector<1024x50xf32> to vector<1024xf32>
    %broadcast_in_dim3A = vector.shape_cast %reduce_sum3A_11 : vector<1024xf32> to vector<1024x1xf32>
    %mul3A = vector.broadcast %broadcast_in_dim3A : vector<1024x1xf32> to vector<1024x128xf32>
    %mul3A_12 = vector.broadcast %get3A_7 : vector<1x128xf32> to vector<1024x128xf32>
    %mul3A_13 = arith.mulf %mul3A, %mul3A_12 : vector<1024x128xf32>
    %sub3A = arith.subf %get3A_1, %mul3A_13 : vector<1024x128xf32>
    %ge3A = arith.constant 5.000000e+01 : f32
    %ge3A_14 = vector.broadcast %ge3A : f32 to vector<1024x1xf32>
    %ge3A_15 = arith.cmpf oge, %broadcast_in_dim3A, %ge3A_14 : vector<1024x1xf32>
    %jit3A = arith.constant 0.000000e+00 : f32
    %broadcast_in_dim3A_16 = vector.shape_cast %ge3A_15 : vector<1024x1xi1> to vector<1024x1xi1>
    %broadcast_in_dim3A_17 = vector.broadcast %broadcast_in_dim3A_16 : vector<1024x1xi1> to vector<1024x128xi1>
    %broadcast_in_dim3A_18 = vector.broadcast %jit3A : f32 to vector<1024x128xf32>
    %select_n3A = arith.select %broadcast_in_dim3A_17, %broadcast_in_dim3A_18, %sub3A : vector<1024x128xi1>, vector<1024x128xf32>
    %sub3A_19 = arith.constant 5.000000e+01 : f32
    %sub3A_20 = vector.broadcast %sub3A_19 : f32 to vector<1024x1xf32>
    %sub3A_21 = arith.subf %sub3A_20, %broadcast_in_dim3A : vector<1024x1xf32>
    %add3A = arith.constant 9.99999971E-10 : f32
    %add3A_22 = vector.broadcast %add3A : f32 to vector<1024x1xf32>
    %add3A_23 = arith.addf %sub3A_21, %add3A_22 : vector<1024x1xf32>
    %slice3A = vector.extract_strided_slice %select_n3A {offsets = [0, 0], sizes = [1024, 64], strides = [1, 1]} : vector<1024x128xf32> to vector<1024x64xf32>
    %div3A = vector.broadcast %add3A_23 : vector<1024x1xf32> to vector<1024x64xf32>
    %div3A_24 = arith.divf %slice3A, %div3A : vector<1024x64xf32>
    %slice3A_25 = vector.extract_strided_slice %select_n3A {offsets = [0, 64], sizes = [1024, 64], strides = [1, 1]} : vector<1024x128xf32> to vector<1024x64xf32>
    %div3A_26 = vector.broadcast %add3A_23 : vector<1024x1xf32> to vector<1024x64xf32>
    %div3A_27 = arith.divf %slice3A_25, %div3A_26 : vector<1024x64xf32>
    %mul3A_28 = arith.mulf %div3A_24, %div3A_24 : vector<1024x64xf32>
    %mul3A_29 = arith.mulf %div3A_27, %div3A_27 : vector<1024x64xf32>
    %add3A_30 = arith.addf %mul3A_28, %mul3A_29 : vector<1024x64xf32>
    %reduce_sum3A_31 = arith.constant dense<0.000000e+00> : vector<1024xf32>
    %reduce_sum3A_32 = vector.multi_reduction <add>, %add3A_30, %reduce_sum3A_31 [1] : vector<1024x64xf32> to vector<1024xf32>
    %broadcast_in_dim3A_33 = vector.shape_cast %reduce_sum3A_32 : vector<1024xf32> to vector<1024x1xf32>
    %sqrt3A = math.sqrt %broadcast_in_dim3A_33 : vector<1024x1xf32>
    %add3A_34 = arith.constant 9.99999971E-10 : f32
    %add3A_35 = vector.broadcast %add3A_34 : f32 to vector<1024x1xf32>
    %add3A_36 = arith.addf %sqrt3A, %add3A_35 : vector<1024x1xf32>
    %div3A_37 = vector.broadcast %add3A_36 : vector<1024x1xf32> to vector<1024x64xf32>
    %div3A_38 = arith.divf %div3A_24, %div3A_37 : vector<1024x64xf32>
    %div3A_39 = vector.broadcast %add3A_36 : vector<1024x1xf32> to vector<1024x64xf32>
    %div3A_40 = arith.divf %div3A_27, %div3A_39 : vector<1024x64xf32>
    %swap3A = arith.constant 0 : index
    %swap3A_41 = arith.constant 0 : index
    %swap3A_42 = vector.load %arg4[%swap3A, %swap3A_41] : memref<1024x64xf32, #tpu.memory_space<vmem>>, vector<1024x64xf32>
    tpu.vector_store %arg4[%swap3A, %swap3A_41], %div3A_38 {strides = array<i32>} : memref<1024x64xf32, #tpu.memory_space<vmem>>, vector<1024x64xf32>,
    %swap3A_43 = arith.constant 0 : index
    %swap3A_44 = arith.constant 0 : index
    %swap3A_45 = vector.load %arg5[%swap3A_43, %swap3A_44] : memref<1024x64xf32, #tpu.memory_space<vmem>>, vector<1024x64xf32>
    tpu.vector_store %arg5[%swap3A_43, %swap3A_44], %div3A_40 {strides = array<i32>} : memref<1024x64xf32, #tpu.memory_space<vmem>>, vector<1024x64xf32>,
    %slice3A_46 = vector.extract_strided_slice %get3A_1 {offsets = [0, 0], sizes = [1024, 64], strides = [1, 1]} : vector<1024x128xf32> to vector<1024x64xf32>
    %mul3A_47 = arith.constant 2.000000e-02 : f32
    %mul3A_48 = vector.broadcast %mul3A_47 : f32 to vector<1024x64xf32>
    %mul3A_49 = arith.mulf %slice3A_46, %mul3A_48 : vector<1024x64xf32>
    %swap3A_50 = arith.constant 0 : index
    %swap3A_51 = arith.constant 0 : index
    %swap3A_52 = vector.load %arg6[%swap3A_50, %swap3A_51] : memref<1024x64xf32, #tpu.memory_space<vmem>>, vector<1024x64xf32>
    tpu.vector_store %arg6[%swap3A_50, %swap3A_51], %mul3A_49 {strides = array<i32>} : memref<1024x64xf32, #tpu.memory_space<vmem>>, vector<1024x64xf32>,
    %slice3A_53 = vector.extract_strided_slice %get3A_1 {offsets = [0, 64], sizes = [1024, 64], strides = [1, 1]} : vector<1024x128xf32> to vector<1024x64xf32>
    %mul3A_54 = arith.constant 2.000000e-02 : f32
    %mul3A_55 = vector.broadcast %mul3A_54 : f32 to vector<1024x64xf32>
    %mul3A_56 = arith.mulf %slice3A_53, %mul3A_55 : vector<1024x64xf32>
    %swap3A_57 = arith.constant 0 : index
    %swap3A_58 = arith.constant 0 : index
    %swap3A_59 = vector.load %arg7[%swap3A_57, %swap3A_58] : memref<1024x64xf32, #tpu.memory_space<vmem>>, vector<1024x64xf32>
    tpu.vector_store %arg7[%swap3A_57, %swap3A_58], %mul3A_56 {strides = array<i32>} : memref<1024x64xf32, #tpu.memory_space<vmem>>, vector<1024x64xf32>,
    %mul3A_60 = arith.mulf %div3A_38, %div3A_38 : vector<1024x64xf32>
    %mul3A_61 = arith.mulf %div3A_40, %div3A_40 : vector<1024x64xf32>
    %add3A_62 = arith.addf %mul3A_60, %mul3A_61 : vector<1024x64xf32>
    %swap3A_63 = arith.constant 0 : index
    %swap3A_64 = arith.constant 0 : index
    %swap3A_65 = vector.load %arg8[%swap3A_63, %swap3A_64] : memref<1024x64xf32, #tpu.memory_space<vmem>>, vector<1024x64xf32>
    tpu.vector_store %arg8[%swap3A_63, %swap3A_64], %add3A_62 {strides = array<i32>} : memref<1024x64xf32, #tpu.memory_space<vmem>>, vector<1024x64xf32>,
    %atan23A = math.atan2 %div3A_40, %div3A_38 : vector<1024x64xf32>
    %swap3A_66 = arith.constant 0 : index
    %swap3A_67 = arith.constant 0 : index
    %swap3A_68 = vector.load %arg9[%swap3A_66, %swap3A_67] : memref<1024x64xf32, #tpu.memory_space<vmem>>, vector<1024x64xf32>
    tpu.vector_store %arg9[%swap3A_66, %swap3A_67], %atan23A {strides = array<i32>} : memref<1024x64xf32, #tpu.memory_space<vmem>>, vector<1024x64xf32>,
    return
  }
  func.func @transform_0(%arg0: i32) -> (i32, i32) {
    %c0_i32 = arith.constant 0 : i32
    %c0_i32_0 = arith.constant 0 : i32
    return %arg0, %c0_i32 : i32, i32
  }
  func.func @transform_1(%arg0: i32) -> (i32, i32) {
    %c0_i32 = arith.constant 0 : i32
    %c0_i32_0 = arith.constant 0 : i32
    return %arg0, %c0_i32 : i32, i32
  }
  func.func @transform_2(%arg0: i32) -> (i32, i32) {
    %c0_i32 = arith.constant 0 : i32
    %c0_i32_0 = arith.constant 0 : i32
    %c0_i32_1 = arith.constant 0 : i32
    return %c0_i32, %c0_i32_0 : i32, i32
  }
  func.func @transform_3(%arg0: i32) -> (i32, i32) {
    %c0_i32 = arith.constant 0 : i32
    %c0_i32_0 = arith.constant 0 : i32
    return %arg0, %c0_i32 : i32, i32
  }
  func.func @transform_4(%arg0: i32) -> (i32, i32) {
    %c0_i32 = arith.constant 0 : i32
    %c0_i32_0 = arith.constant 0 : i32
    return %arg0, %c0_i32 : i32, i32
  }
  func.func @transform_5(%arg0: i32) -> (i32, i32) {
    %c0_i32 = arith.constant 0 : i32
    %c0_i32_0 = arith.constant 0 : i32
    return %arg0, %c0_i32 : i32, i32
  }
  func.func @transform_6(%arg0: i32) -> (i32, i32) {
    %c0_i32 = arith.constant 0 : i32
    %c0_i32_0 = arith.constant 0 : i32
    return %arg0, %c0_i32 : i32, i32
  }
  func.func @transform_7(%arg0: i32) -> (i32, i32) {
    %c0_i32 = arith.constant 0 : i32
    %c0_i32_0 = arith.constant 0 : i32
    return %arg0, %c0_i32 : i32, i32
  }
  func.func @transform_8(%arg0: i32) -> (i32, i32) {
    %c0_i32 = arith.constant 0 : i32
    %c0_i32_0 = arith.constant 0 : i32
    return %arg0, %c0_i32 : i32, i32
  }
}

</mosaic_0001>

<sc_bundles>
// kernel: _run.4.cloned.1.call-start
scs
__scs_entry_jumppad:
0x0: {  	(pc) =	sbr.rel $0x88, $3  }
0x1: {  	(tag) =	ssettag $0x0;
	lr =	simm.s32 $0x1  }
0x2: {  	[smem:$0x3F9F] =	sst lr;
	_ =	strace $0xD0000000  }
0x3: {  	_ = 	snop  }
0x4: {  	_ = 	snop  }
0x5: {  	_ = 	snop  }
0x6: {  	_ = 	snop  }
0x7: {  	_ = 	snop  }
__scs_overlays_trampoline_lowered:
0x8: {  	[smem:$0x3FAE] =	sst s0  }
0x9: {  	[smem:$0x3FAF] =	sst s1  }
0xa: {  	[smem:$0x3FB0] =	sst s2  }
0xb: {  	[smem:$0x3FB1] =	sst s3  }
0xc: {  	[smem:$0x3FB2] =	sst s4  }
0xd: {  	[smem:$0x3FB3] =	sst s5  }
0xe: {  	[smem:$0x3FB4] =	sst s6  }
0xf: {  	[smem:$0x3FB5] =	sst s7  }
0x10: {  	[smem:$0x3FB6] =	sst s8  }
0x11: {  	[smem:$0x3FB7] =	sst s9;
	s0 =	simm.s32 @!p0 $0x0  }
0x12: {  	s1 =	sld [smem:$0x3F9D];
	s0 =	simm.s32 @p0 $0x1  }
0x13: {  	[smem:$0x3FB8] =	sst s0;
	s0 =	simm.s32 @!p1 $0x0  }
0x14: {  	s2 =	sld [smem:$0x3F9C];
	s0 =	simm.s32 @p1 $0x1  }
0x15: {  	[smem:$0x3FB9] =	sst s0;
	s0 =	simm.s32 @!p2 $0x0  }
0x16: {  	s3 =	sld [smem:$0x3FDB];
	s0 =	simm.s32 @p2 $0x1  }
0x17: {  	s4 =	simm.s32 $0x1BF5;
	[smem:$0x3FBB] =	sst s0  }
0x18: {  	s0 =	sld [smem:$0x3F9E];
	_ =	swait.ge [sflag:s4], $0x0  }
0x19: {  	s7 =	sld [smem:$0x3F9F]  }
0x1a: {  	s8 =	sadd.s32 $0xFFFFE003, lr  }
0x1b: {  	s9 =	sadd.s32 $0xFFFFFEF7, lr;
	s5 =	simm.s32 $0xFFFFFFFF;
	p2 =	slt.u32 s8, $0xFFFFF086  }
0x1c: {  	p1 =	slt.u32 s9, $0xF7A;
	s5 =	simm.s32 @!p2 $0x0  }
0x1d: {  	s5 =	simm.s32 @p1 $0x1;
	p0 =	seq.s32 s7, s2  }
0x1e: {  	s7 =	smul.u32 @!p0 $0xF7A, s2;
	p2 =	seq.s32 @!p0 s5, $0x0  }
0x1f: {  	s9 =	smul.u32 $0xF7A, s1;
	s8 =	simm.s32 @!p0 $0x1BF5;
	p2 =	por !p2, p0  }
0x20: {  	[sflag:s8] =	ssyncset.s32 @!p0 $0xFFFFF086;
	s6 =	sadd.s32 @!p0 s3, s7;
	s7 =	simm.s32 @!p0 $0x108  }
0x21: {  	s3 =	sadd.s32 s3, s9;
	s6 =	sadd.s32 @!p0 $0x88, s6;
	s7 =	simm.s32 @p2 $0x1082  }
0x22: {  	[simem:s7], [sflag:s8] =	dma.local @!p0 [hbm:s6], $0xF7A  }
0x23: {  	s9 =	sor.u32 $0xD0000000, s2;
	s6 =	simm.s32 $0x108;
	_ =	swait.ge @!p0 [sflag:s8], $0x0  }
0x24: {  	s3 =	sadd.s32 $0x88, s3;
	s6 =	simm.s32 @!p1 $0x1082;
	[sflag:s4] =	ssyncset.s32 $0xFFFFF086  }
0x25: {  	[simem:s6], [sflag:s4] =	dma.local [hbm:s3], $0xF7A  }
0x26: {  	[smem:$0x3F9F] =	sst s1;
	(tag) =	ssettag s2;
	_ =	strace s9  }
0x27: {  	s1 =	sld [smem:$0x3FAF]  }
0x28: {  	s2 =	sld [smem:$0x3FB0]  }
0x29: {  	s4 =	sld [smem:$0x3FB2]  }
0x2a: {  	p0 =	seq.s32 s5, $0x0;
	s5 =	sld [smem:$0x3FB3]  }
0x2b: {  	s6 =	sld [smem:$0x3FB4]  }
0x2c: {  	s7 =	sld [smem:$0x3FB5]  }
0x2d: {  	s3 =	simm.s32 $0x108;
	s8 =	sld [smem:$0x3FB6]  }
0x2e: {  	s3 =	simm.s32 @!p0 $0x1082;
	s9 =	sld [smem:$0x3FB7]  }
0x2f: {  	lr =	sadd.s32 s0, s3;
	s0 =	sld [smem:$0x3FAE]  }
0x30: {  	s3 =	sld [smem:$0x3FB1]  }
0x31: {  	[smem:$0x3FBA] =	sst s10  }
0x32: {  	s10 =	sld [smem:$0x3FB8];
	_ =	sdelay $0x3  }
0x33: {  	p0 =	seq.s32 s10, $0x1;
	s10 =	sld [smem:$0x3FBA];
	_ =	sdelay $0x3  }
0x34: {  	[smem:$0x3FBA] =	sst s10  }
0x35: {  	s10 =	sld [smem:$0x3FB9];
	_ =	sdelay $0x3  }
0x36: {  	p1 =	seq.s32 s10, $0x1;
	s10 =	sld [smem:$0x3FBA];
	_ =	sdelay $0x3  }
0x37: {  	[smem:$0x3FBA] =	sst s10  }
0x38: {  	s10 =	sld [smem:$0x3FBB]  }
0x39: {  	_ = 	snop;
	(pc) =	sbr.ind lr, $3  }
0x3a: {  	_ = 	snop  }
0x3b: {  	_ = 	snop  }
0x3c: {  	p2 =	seq.s32 s10, $0x1;
	s10 =	sld [smem:$0x3FBA]  }
0x3d: {  	_ =	shalt  }
0x3e: {  	_ =	shalt  }
0x3f: {  	_ =	shalt  }
0x40: {  	_ =	shalt  }
0x41: {  	_ =	shalt  }
0x42: {  	_ =	shalt  }
0x43: {  	_ =	shalt  }
0x44: {  	_ =	shalt  }
0x45: {  	_ =	shalt  }
0x46: {  	_ =	shalt  }
0x47: {  	_ =	shalt  }
0x48: {  	_ =	shalt  }
0x49: {  	_ =	shalt  }
0x4a: {  	_ =	shalt  }
0x4b: {  	_ =	shalt  }
0x4c: {  	_ =	shalt  }
0x4d: {  	_ =	shalt  }
0x4e: {  	_ =	shalt  }
0x4f: {  	_ =	shalt  }
0x50: {  	_ =	shalt  }
0x51: {  	_ =	shalt  }
0x52: {  	_ =	shalt  }
0x53: {  	_ =	shalt  }
0x54: {  	_ =	shalt  }
0x55: {  	_ =	shalt  }
0x56: {  	_ =	shalt  }
0x57: {  	_ =	shalt  }
0x58: {  	_ =	shalt  }
0x59: {  	_ =	shalt  }
0x5a: {  	_ =	shalt  }
0x5b: {  	_ =	shalt  }
0x5c: {  	_ =	shalt  }
0x5d: {  	_ =	shalt  }
0x5e: {  	_ =	shalt  }
0x5f: {  	_ =	shalt  }
0x60: {  	_ =	shalt  }
0x61: {  	_ =	shalt  }
0x62: {  	_ =	shalt  }
0x63: {  	_ =	shalt  }
0x64: {  	_ =	shalt  }
0x65: {  	_ =	shalt  }
0x66: {  	_ =	shalt  }
0x67: {  	_ =	shalt  }
0x68: {  	_ =	shalt  }
0x69: {  	_ =	shalt  }
0x6a: {  	_ =	shalt  }
0x6b: {  	_ =	shalt  }
0x6c: {  	_ =	shalt  }
0x6d: {  	_ =	shalt  }
0x6e: {  	_ =	shalt  }
0x6f: {  	_ =	shalt  }
0x70: {  	_ =	shalt  }
0x71: {  	_ =	shalt  }
0x72: {  	_ =	shalt  }
0x73: {  	_ =	shalt  }
0x74: {  	_ =	shalt  }
0x75: {  	_ =	shalt  }
0x76: {  	_ =	shalt  }
0x77: {  	_ =	shalt  }
0x78: {  	_ =	shalt  }
0x79: {  	_ =	shalt  }
0x7a: {  	_ =	shalt  }
0x7b: {  	_ =	shalt  }
0x7c: {  	_ =	shalt  }
0x7d: {  	_ =	shalt  }
0x7e: {  	_ =	shalt  }
0x7f: {  	_ =	shalt  }
0x80: {  	_ =	shalt  }
0x81: {  	_ =	shalt  }
0x82: {  	_ =	shalt  }
0x83: {  	_ =	shalt  }
0x84: {  	_ =	shalt  }
0x85: {  	_ =	shalt  }
0x86: {  	_ =	shalt  }
0x87: {  	_ =	shalt  }
.Lfunc_end0:
.L_simem_size_0:
called_computation_lowered:
.L_overlay_start_0:
0x88: {  	s2 =	sld [smem:$0x3FD9]  }
0x89: {  	s3 =	sld [smem:$0x3FFE];
	_ =	sdelay $0x1  }
0x8a: {  	s1 =	srdreg.scid  }
0x8b: {  	s0 =	sand.u32 $0x1, s1  }
0x8c: {  	s15 =	sshll.u32 s0, $0xA;
	s2 =	sadd.s32 s3, s2  }
0x8d: {  	s2 =	sadd.s32 s2, s15  }
0x8e: {  	[smem:$0x3FC6] =	sst s2  }
0x8f: {  	_ = 	snop  }
0x90: {  	s2 =	sld [smem:$0x3FD0];
	_ =	sdelay $0x2  }
0x91: {  	s4 =	simm.s32 $0xA;
	s5 =	simm.s32 $0x10;
	s16 =	sld [smem:$0x3FC8]  }
0x92: {  	[smem:s5], [sflag:s4] =	dma.local [hbm:s2], $0x1  }
0x93: {  	_ =	swait.eq [sflag:s4], $0x1  }
0x94: {  	s17 =	sld [smem:$0x12];
	[sflag:s4] =	ssyncset.done $0x0  }
0x95: {  	s18 =	sld [smem:$0x13];
	[sflag:s4] =	ssyncadd.s32 $0xFFFFFFFF  }
0x96: {  	s19 =	sld [smem:$0x14];
	(tm) =	ssettm $0x1  }
0x97: {  	s6 =	sld [smem:$0x3FFB];
	_ =	sdelay $0x3  }
0x98: {  	_ =	strace s6  }
0x99: {  	s6 =	sld [smem:$0x3FFC];
	_ =	sdelay $0x3  }
0x9a: {  	_ =	strace s6  }
0x9b: {  	s6 =	sld [smem:$0x3FFD];
	_ =	sdelay $0x3  }
0x9c: {  	_ =	strace s6  }
0x9d: {  	_ =	strace $0x8FFFFFFF  }
0x9e: {  	s20 =	sld [smem:$0x3FDB];
	_ =	sdelay $0x1  }
0x9f: {  	s7 =	simm.s32 $_scs_section_size  }
0xa0: {  	s8 =	simm.s32 $_size__tile_overlayer_lowered;
	s9 =	simm.s32 $_tile_overlayer_lowered  }
0xa1: {  	s23 =	simm.s32 $0x1BFF;
	s22 =	sshll.u32 s9, $0x1;
	s6 =	sadd.s32 s7, s20  }
0xa2: {  	s10 =	simm.s32 $0x0;
	s21 =	sshll.u32 s8, $0x1;
	s8 =	sadd.s32 s22, s6  }
0xa3: {  	[timem:s10], [sflag:s23] =	dma.local [hbm:s8], s21  }
0xa4: {  	_ =	swait.ge [sflag:s23], s21  }
0xa5: {  	s7 =	ssub.s32 $0x0, s21;
	[sflag:s23] =	ssyncset.done $0x0  }
0xa6: {  	[sflag:s23] =	ssyncadd.s32 s7;
	_ =	sdelay $0x1  }
0xa7: {  	s24 =	simm.s32 $0x1B8B  }
0xa8: {  	_ =	swait.ge [sflag:s24], $0x1  }
0xa9: {  	[sflag:s24] =	ssyncset.done $0x0  }
0xaa: {  	s25 =	simm.s32 $0x1B8E;
	[sflag:s24] =	ssyncadd.s32 $0xFFFFFFFF  }
0xab: {  	s26 =	simm.s32 $execute0_lowered;
	[smem:$0x3FD2] =	sst s25  }
0xac: {  	s7 =	sshll.u32 s26, $0x1;
	_ =	strace $0x80000046;
	[dreg:$0x1] =	wrdreg $0xFFFFFFFF  }
0xad: {  	s28 =	simm.s32 $_size_execute0_lowered;
	s6 =	sadd.s32 s6, s7;
	[dreg:$0x0] =	wrdreg $0x0  }
0xae: {  	s7 =	sshll.u32 s28, $0x1;
	[dreg:$0x2] =	wrdreg s6  }
0xaf: {  	[dreg:$0x3] =	wrdreg s7  }
0xb0: {  	[dreg:$0x4] =	wrdreg $0xC0  }
0xb1: {  	_ =	task [dreg:s10], $0x5FFFF  }
0xb2: {  	[dreg:$0x1] =	wrdreg $0xFFFFFFFF  }
0xb3: {  	[dreg:$0x0] =	wrdreg $0x60  }
0xb4: {  	[dreg:$0x2] =	wrdreg s19  }
0xb5: {  	[dreg:$0x3] =	wrdreg s18  }
0xb6: {  	[dreg:$0x4] =	wrdreg s16  }
0xb7: {  	[dreg:$0x5] =	wrdreg s17  }
0xb8: {  	[dreg:$0x6] =	wrdreg $0x1B8000  }
0xb9: {  	[dreg:$0x7] =	wrdreg $0x9  }
0xba: {  	_ =	task.clear_ibuf [dreg:s10], $0x8FFFF;
	_ =	strace $0x90000046  }
0xbb: {  	s29 =	simm.s32 $0x9;
	_ =	strace $0x80000048  }
0xbc: {  	_ =	swait.ge [sflag:s29], $0x1  }
0xbd: {  	[sflag:s29] =	ssyncadd.s32 $0xFFFFFFFF  }
0xbe: {  	_ =	strace $0x90000048  }
0xbf: {  	_ =	sfence  }
0xc0: {  	s30 =	sld [smem:$0x0];
	_ =	sdelay $0x2  }
0xc1: {  	s31 =	sshll.u32 s1, $0xD;
	s1 =	sshrl.u32 s1, $0x2  }
0xc2: {  	s3 =	sand.u32 $0x4000, s31;
	s1 =	sadd.s32 s1, s30  }
0xc3: {  	s0 =	sor.u32 s3, s0;
	s1 =	sshll.u32 s1, $0x11  }
0xc4: {  	s0 =	sor.u32 s1, s0  }
0xc5: {  	s0 =	sadd.s32 $0x8F2B, s0  }
0xc6: {  	[sflag:s0] =	ssyncadd.remote.s32 $0x1  }
0xc7: {  	_ =	sfence.sel $0xFFFF  }
0xc8: {  	[dreg:$0x0] =	wrdreg $0xFFFFFFFF;
	(pc) =	sbr.abs _section_cstart, $3  }
0xc9: {  	[dreg:$0x1] =	wrdreg $0xFFFFFFFF  }
0xca: {  	_ =	task.clear_ibuf [dreg:s10], $0x2FFFF;
	_ =	strace $0x9FFFFFFF  }
0xcb: {  	(tm) =	ssettm $0x7FFFFFFF  }
tec
execute0_lowered:
.L_overlay_start_1:
0x0: {  	(tag) =	ssettag $0x1  }
0x1: {  	s0 =	rddreg [dreg:$0x0]  }
0x2: {  	s6 =	rddreg [dreg:$0x1]  }
0x3: {  	s2 =	rddreg [dreg:$0x2]  }
0x4: {  	s8 =	rddreg [dreg:$0x3]  }
0x5: {  	s3 =	rddreg [dreg:$0x4]  }
0x6: {  	s4 =	srdreg.scid;
	s1 =	stileid.u32;
	s12 =	simm.s32 $0x80  }
0x7: {  	s13 =	simm.s32 $0x7800;
	s14 =	simm.s32 $0xB800;
	s16 =	simm.s32 $0xF800  }
0x8: {  	s18 =	simm.s32 $0x13800;
	s20 =	simm.s32 $0x17800;
	s21 =	simm.s32 $0x3800  }
0x9: {  	s22 =	simm.s32 $0x1;
	s23 =	simm.s32 $0x2;
	s28 =	simm.s32 $0x3280  }
0xa: {  	s29 =	simm.s32 $0x3300;
	s30 =	simm.s32 $0x3380;
	s31 =	simm.s32 $0x3400  }
0xb: {  	s5 =	sand.u32 $0x1, s4;
	s7 =	sshll.u32 s1, $0x1;
	s4 =	simm.s32 $0x0  }
0xc: {  	s11 =	smul.u32 $0x380, s1;
	s25 =	sshll.u32 s1, $0xE;
	s9 =	ssub.s32 $0x2, s5  }
0xd: {  	s7 =	sor.u32 s5, s7;
	[smem:$0x7FF] =	sst s4;
	s24 =	sshrl.u32 s9, $0x1  }
0xe: {  	s10 =	smul.u32 $0x380, s7;
	_ =	strace $0x80000047;
	s26 =	sshll.u32 s7, $0xB  }
0xf: {  	s6 =	sadd.s32 s6, s11;
	s7 =	sadd.s32 s25, s3;
	s25 =	simm.s32 $0x4  }
0x10: {  	s11 =	simm.s32 $0x0;
	s9 =	ssub.s32 s9, s24;
	s8 =	sadd.s32 s8, s26  }
0x11: {  	s24 =	simm.s32 $0x3;
	s26 =	simm.s32 $0x5;
	s5 =	sadd.s32 s0, s10  }
0x12: {  	v0 =	vimm.f32 $0.0e+00;
	s9 =	smax.u32 s9, $0x1;
	s10 =	simm.s32 $0x6;
	s0 =	simm.s32 $0x3480  }
.LBB2_1:
0x13: {  	[tilespmem:s4], [sflag:$0x6] =	stream.linear.gather [hbm4b:s5+s4], $0x1900, $0x38;
	[tilespmem:$0x1F800] =	vst v63  }
0x14: {  	_ =	swait.ge [sflag:s10], $0x1900  }
0x15: {  	[sflag:s10] =	ssyncset.done $0x0  }
0x16: {  	s15 =	simm.s32 $0x1C00;
	[sflag:s10] =	ssyncadd.s32 $0xFFFFE700  }
0x17: {  	[tilespmem:s15], [sflag:$0x6] =	stream.linear.gather [hbm4b:s6+s4], $0x1900, $0x38;
	[tilespmem:$0x1F800] =	vst v63  }
0x18: {  	_ =	swait.ge [sflag:s10], $0x1900  }
0x19: {  	[sflag:s10] =	ssyncset.done $0x0  }
0x1a: {  	[sflag:s10] =	ssyncadd.s32 $0xFFFFE700  }
0x1b: {  	[tilespmem:s13], [sflag:$0x1] =	stream.indirect.gather [hbm4b:s2+s12], $0x80, s4, s12, $0xb8;
	[tilespmem:$0x1F800] =	vst v63  }
0x1c: {  	_ = 	snop  }
0x1d: {  	[tilespmem:s14], [sflag:$0x2] =	stream.indirect.gather [hbm4b:s2+s12], $0x80, s12, s12, $0xb8;
	[tilespmem:$0x1F800] =	vst v63  }
0x1e: {  	s19 =	simm.s32 $0x100  }
0x1f: {  	[tilespmem:s16], [sflag:$0x3] =	stream.indirect.gather [hbm4b:s2+s12], $0x80, s19, s12, $0xb8;
	[tilespmem:$0x1F800] =	vst v63  }
0x20: {  	s17 =	simm.s32 $0x180  }
0x21: {  	[tilespmem:s18], [sflag:$0x4] =	stream.indirect.gather [hbm4b:s2+s12], $0x80, s17, s12, $0xb8;
	[tilespmem:$0x1F800] =	vst v63  }
0x22: {  	s15 =	simm.s32 $0x0;
	s19 =	simm.s32 $0x200;
	s17 =	simm.s32 $0x200  }
0x23: {  	[tilespmem:s20], [sflag:$0x5] =	stream.indirect.gather [hbm4b:s2+s12], $0x80, s19, s12, $0xb8;
	[tilespmem:$0x1F800] =	vst v63  }
.LBB2_2:
0x24: {  	p0 =	sne.s32 s17, $0xFE00;
	[tilespmem:s15+$0x3870] =	vst v0  }
0x25: {  	[tilespmem:s15+$0x3800] =	vst v0  }
0x26: {  	[tilespmem:s15+$0x3810] =	vst v0  }
.Ltmp0:
0x27: {  	[tilespmem:s15+$0x3820] =	vst v0;
	(pc) =	sbr.rel @p0 .LBB2_2-.Ltmp0, $4  }
0x28: {  	[tilespmem:s15+$0x3830] =	vst v0  }
0x29: {  	[tilespmem:s15+$0x3840] =	vst v0  }
0x2a: {  	[tilespmem:s15+$0x3850] =	vst v0  }
0x2b: {  	[tilespmem:s15+$0x3860] =	vst v0;
	s15 =	sshra.s32 s17, $0x2;
	s17 =	sadd.s32 $0x200, s17  }
0x2c: {  	[tilespmem:s15+$0x3870] =	vst v0  }
0x2d: {  	[tilespmem:s15+$0x3800] =	vst v0  }
0x2e: {  	[tilespmem:s15+$0x3810] =	vst v0  }
0x2f: {  	[tilespmem:s15+$0x3820] =	vst v0  }
0x30: {  	[tilespmem:s15+$0x3830] =	vst v0  }
0x31: {  	[tilespmem:s15+$0x3840] =	vst v0  }
0x32: {  	[tilespmem:s15+$0x3850] =	vst v0  }
0x33: {  	[tilespmem:s15+$0x3860] =	vst v0  }
0x34: {  	[spmem:s7] =	stream.linear.scatter [tilespmem:s21], [sflag:$0x6], $0x4000, $0x38;
	[tilespmem:$0x1F800] =	vst v63  }
0x35: {  	_ =	swait.ge [sflag:s10], $0x4000  }
0x36: {  	[sflag:s10] =	ssyncset.done $0x0  }
0x37: {  	[sflag:s10] =	ssyncadd.s32 $0xFFFFC000  }
0x38: {  	_ =	swait.ge [sflag:s22], $0x4000  }
0x39: {  	[sflag:s22] =	ssyncset.done $0x0  }
0x3a: {  	s19 =	simm.s32 $0x1C00;
	[sflag:s22] =	ssyncadd.s32 $0xFFFFC000  }
0x3b: {  	[spmem:s3] =	stream.indirect.scatter.add.f32 [tilespmem:s13], [sflag:$0x6], $0x80, s19, s12, $0xb8;
	[tilespmem:$0x1F800] =	vst v63  }
0x3c: {  	_ =	swait.ge [sflag:s10], $0x4000  }
0x3d: {  	[sflag:s10] =	ssyncset.done $0x0  }
0x3e: {  	s17 =	simm.s32 $0x280;
	[sflag:s10] =	ssyncadd.s32 $0xFFFFC000  }
0x3f: {  	[tilespmem:s13], [sflag:$0x1] =	stream.indirect.gather [hbm4b:s2+s12], $0x80, s17, s12, $0xb8;
	[tilespmem:$0x1F800] =	vst v63  }
0x40: {  	_ =	swait.ge [sflag:s23], $0x4000  }
0x41: {  	[sflag:s23] =	ssyncset.done $0x0  }
0x42: {  	s19 =	simm.s32 $0x1C80;
	[sflag:s23] =	ssyncadd.s32 $0xFFFFC000  }
0x43: {  	[spmem:s3] =	stream.indirect.scatter.add.f32 [tilespmem:s14], [sflag:$0x6], $0x80, s19, s12, $0xb8;
	[tilespmem:$0x1F800] =	vst v63  }
0x44: {  	_ =	swait.ge [sflag:s10], $0x4000  }
0x45: {  	[sflag:s10] =	ssyncset.done $0x0  }
0x46: {  	s17 =	simm.s32 $0x300;
	[sflag:s10] =	ssyncadd.s32 $0xFFFFC000  }
0x47: {  	[tilespmem:s14], [sflag:$0x2] =	stream.indirect.gather [hbm4b:s2+s12], $0x80, s17, s12, $0xb8;
	[tilespmem:$0x1F800] =	vst v63  }
0x48: {  	_ =	swait.ge [sflag:s24], $0x4000  }
0x49: {  	[sflag:s24] =	ssyncset.done $0x0  }
0x4a: {  	s19 =	simm.s32 $0x1D00;
	[sflag:s24] =	ssyncadd.s32 $0xFFFFC000  }
0x4b: {  	[spmem:s3] =	stream.indirect.scatter.add.f32 [tilespmem:s16], [sflag:$0x6], $0x80, s19, s12, $0xb8;
	[tilespmem:$0x1F800] =	vst v63  }
0x4c: {  	_ =	swait.ge [sflag:s10], $0x4000  }
0x4d: {  	[sflag:s10] =	ssyncset.done $0x0  }
0x4e: {  	s17 =	simm.s32 $0x380;
	[sflag:s10] =	ssyncadd.s32 $0xFFFFC000  }
0x4f: {  	[tilespmem:s16], [sflag:$0x3] =	stream.indirect.gather [hbm4b:s2+s12], $0x80, s17, s12, $0xb8;
	[tilespmem:$0x1F800] =	vst v63  }
0x50: {  	_ =	swait.ge [sflag:s25], $0x4000  }
0x51: {  	[sflag:s25] =	ssyncset.done $0x0  }
0x52: {  	s19 =	simm.s32 $0x1D80;
	[sflag:s25] =	ssyncadd.s32 $0xFFFFC000  }
0x53: {  	[spmem:s3] =	stream.indirect.scatter.add.f32 [tilespmem:s18], [sflag:$0x6], $0x80, s19, s12, $0xb8;
	[tilespmem:$0x1F800] =	vst v63  }
0x54: {  	_ =	swait.ge [sflag:s10], $0x4000  }
0x55: {  	[sflag:s10] =	ssyncset.done $0x0  }
0x56: {  	s17 =	simm.s32 $0x400;
	[sflag:s10] =	ssyncadd.s32 $0xFFFFC000  }
0x57: {  	[tilespmem:s18], [sflag:$0x4] =	stream.indirect.gather [hbm4b:s2+s12], $0x80, s17, s12, $0xb8;
	[tilespmem:$0x1F800] =	vst v63  }
0x58: {  	_ =	swait.ge [sflag:s26], $0x4000  }
0x59: {  	[sflag:s26] =	ssyncset.done $0x0  }
0x5a: {  	s19 =	simm.s32 $0x1E00;
	[sflag:s26] =	ssyncadd.s32 $0xFFFFC000  }
0x5b: {  	[spmem:s3] =	stream.indirect.scatter.add.f32 [tilespmem:s20], [sflag:$0x6], $0x80, s19, s12, $0xb8;
	[tilespmem:$0x1F800] =	vst v63  }
0x5c: {  	_ =	swait.ge [sflag:s10], $0x4000  }
0x5d: {  	[sflag:s10] =	ssyncset.done $0x0  }
0x5e: {  	s15 =	simm.s32 $0xA00;
	s17 =	simm.s32 $0x480;
	[sflag:s10] =	ssyncadd.s32 $0xFFFFC000  }
.LBB2_4:
0x5f: {  	[tilespmem:s20], [sflag:$0x5] =	stream.indirect.gather [hbm4b:s2+s12], $0x80, s17, s12, $0xb8;
	[tilespmem:$0x1F800] =	vst v63  }
0x60: {  	s17 =	smov.u32 s15  }
0x61: {  	p0 =	sne.s32 s15, $0x5000;
	s15 =	sadd.s32 $0xA00, s15;
	_ =	swait.ge [sflag:s22], $0x4000  }
0x62: {  	s17 =	sshra.s32 s17, $0x2;
	[sflag:s22] =	ssyncset.done $0x0  }
0x63: {  	s19 =	sadd.s32 $0x1C00, s17;
	[sflag:s22] =	ssyncadd.s32 $0xFFFFC000  }
0x64: {  	[spmem:s3] =	stream.indirect.scatter.add.f32 [tilespmem:s13], [sflag:$0x6], $0x80, s19, s12, $0xb8;
	[tilespmem:$0x1F800] =	vst v63  }
0x65: {  	_ =	swait.ge [sflag:s10], $0x4000  }
0x66: {  	[sflag:s10] =	ssyncset.done $0x0  }
0x67: {  	s19 =	sadd.s32 $0x280, s17;
	[sflag:s10] =	ssyncadd.s32 $0xFFFFC000  }
0x68: {  	[tilespmem:s13], [sflag:$0x1] =	stream.indirect.gather [hbm4b:s2+s12], $0x80, s19, s12, $0xb8;
	[tilespmem:$0x1F800] =	vst v63  }
0x69: {  	_ =	swait.ge [sflag:s23], $0x4000  }
0x6a: {  	[sflag:s23] =	ssyncset.done $0x0  }
0x6b: {  	s19 =	sadd.s32 $0x1C80, s17;
	[sflag:s23] =	ssyncadd.s32 $0xFFFFC000  }
0x6c: {  	[spmem:s3] =	stream.indirect.scatter.add.f32 [tilespmem:s14], [sflag:$0x6], $0x80, s19, s12, $0xb8;
	[tilespmem:$0x1F800] =	vst v63  }
0x6d: {  	_ =	swait.ge [sflag:s10], $0x4000  }
0x6e: {  	[sflag:s10] =	ssyncset.done $0x0  }
0x6f: {  	s19 =	sadd.s32 $0x300, s17;
	[sflag:s10] =	ssyncadd.s32 $0xFFFFC000  }
0x70: {  	[tilespmem:s14], [sflag:$0x2] =	stream.indirect.gather [hbm4b:s2+s12], $0x80, s19, s12, $0xb8;
	[tilespmem:$0x1F800] =	vst v63  }
0x71: {  	_ =	swait.ge [sflag:s24], $0x4000  }
0x72: {  	[sflag:s24] =	ssyncset.done $0x0  }
0x73: {  	s19 =	sadd.s32 $0x1D00, s17;
	[sflag:s24] =	ssyncadd.s32 $0xFFFFC000  }
0x74: {  	[spmem:s3] =	stream.indirect.scatter.add.f32 [tilespmem:s16], [sflag:$0x6], $0x80, s19, s12, $0xb8;
	[tilespmem:$0x1F800] =	vst v63  }
0x75: {  	_ =	swait.ge [sflag:s10], $0x4000  }
0x76: {  	[sflag:s10] =	ssyncset.done $0x0  }
0x77: {  	s19 =	sadd.s32 $0x380, s17;
	[sflag:s10] =	ssyncadd.s32 $0xFFFFC000  }
0x78: {  	[tilespmem:s16], [sflag:$0x3] =	stream.indirect.gather [hbm4b:s2+s12], $0x80, s19, s12, $0xb8;
	[tilespmem:$0x1F800] =	vst v63  }
0x79: {  	_ =	swait.ge [sflag:s25], $0x4000  }
0x7a: {  	[sflag:s25] =	ssyncset.done $0x0  }
0x7b: {  	s19 =	sadd.s32 $0x1D80, s17;
	[sflag:s25] =	ssyncadd.s32 $0xFFFFC000  }
0x7c: {  	[spmem:s3] =	stream.indirect.scatter.add.f32 [tilespmem:s18], [sflag:$0x6], $0x80, s19, s12, $0xb8;
	[tilespmem:$0x1F800] =	vst v63  }
0x7d: {  	_ =	swait.ge [sflag:s10], $0x4000  }
0x7e: {  	[sflag:s10] =	ssyncset.done $0x0  }
0x7f: {  	s19 =	sadd.s32 $0x400, s17;
	[sflag:s10] =	ssyncadd.s32 $0xFFFFC000  }
0x80: {  	[tilespmem:s18], [sflag:$0x4] =	stream.indirect.gather [hbm4b:s2+s12], $0x80, s19, s12, $0xb8;
	[tilespmem:$0x1F800] =	vst v63  }
0x81: {  	_ =	swait.ge [sflag:s26], $0x4000  }
0x82: {  	[sflag:s26] =	ssyncset.done $0x0  }
.Ltmp1:
0x83: {  	s19 =	sadd.s32 $0x1E00, s17;
	[sflag:s26] =	ssyncadd.s32 $0xFFFFC000;
	(pc) =	sbr.rel @p0 .LBB2_4-.Ltmp1, $4  }
0x84: {  	[spmem:s3] =	stream.indirect.scatter.add.f32 [tilespmem:s20], [sflag:$0x6], $0x80, s19, s12, $0xb8;
	[tilespmem:$0x1F800] =	vst v63  }
0x85: {  	_ =	swait.ge [sflag:s10], $0x4000  }
0x86: {  	[sflag:s10] =	ssyncset.done $0x0  }
0x87: {  	s17 =	sadd.s32 $0x480, s17;
	[sflag:s10] =	ssyncadd.s32 $0xFFFFC000  }
0x88: {  	[tilespmem:s20], [sflag:$0x5] =	stream.indirect.gather [hbm4b:s2+s12], $0x80, s17, s12, $0xb8;
	[tilespmem:$0x1F800] =	vst v63  }
0x89: {  	_ =	swait.ge [sflag:s22], $0x4000  }
0x8a: {  	[sflag:s22] =	ssyncset.done $0x0  }
0x8b: {  	[sflag:s22] =	ssyncadd.s32 $0xFFFFC000  }
0x8c: {  	[spmem:s3] =	stream.indirect.scatter.add.f32 [tilespmem:s13], [sflag:$0x6], $0x80, s28, s12, $0xb8;
	[tilespmem:$0x1F800] =	vst v63  }
0x8d: {  	_ =	swait.ge [sflag:s10], $0x4000  }
0x8e: {  	[sflag:s10] =	ssyncset.done $0x0  }
0x8f: {  	[sflag:s10] =	ssyncadd.s32 $0xFFFFC000  }
0x90: {  	_ =	swait.ge [sflag:s23], $0x4000  }
0x91: {  	[sflag:s23] =	ssyncset.done $0x0  }
0x92: {  	[sflag:s23] =	ssyncadd.s32 $0xFFFFC000  }
0x93: {  	[spmem:s3] =	stream.indirect.scatter.add.f32 [tilespmem:s14], [sflag:$0x6], $0x80, s29, s12, $0xb8;
	[tilespmem:$0x1F800] =	vst v63  }
0x94: {  	_ =	swait.ge [sflag:s10], $0x4000  }
0x95: {  	[sflag:s10] =	ssyncset.done $0x0  }
0x96: {  	[sflag:s10] =	ssyncadd.s32 $0xFFFFC000  }
0x97: {  	_ =	swait.ge [sflag:s24], $0x4000  }
0x98: {  	[sflag:s24] =	ssyncset.done $0x0  }
0x99: {  	[sflag:s24] =	ssyncadd.s32 $0xFFFFC000  }
0x9a: {  	[spmem:s3] =	stream.indirect.scatter.add.f32 [tilespmem:s16], [sflag:$0x6], $0x80, s30, s12, $0xb8;
	[tilespmem:$0x1F800] =	vst v63  }
0x9b: {  	_ =	swait.ge [sflag:s10], $0x4000  }
0x9c: {  	[sflag:s10] =	ssyncset.done $0x0  }
0x9d: {  	[sflag:s10] =	ssyncadd.s32 $0xFFFFC000  }
0x9e: {  	_ =	swait.ge [sflag:s25], $0x4000  }
0x9f: {  	[sflag:s25] =	ssyncset.done $0x0  }
0xa0: {  	[sflag:s25] =	ssyncadd.s32 $0xFFFFC000  }
0xa1: {  	[spmem:s3] =	stream.indirect.scatter.add.f32 [tilespmem:s18], [sflag:$0x6], $0x80, s31, s12, $0xb8;
	[tilespmem:$0x1F800] =	vst v63  }
0xa2: {  	_ =	swait.ge [sflag:s10], $0x4000  }
0xa3: {  	[sflag:s10] =	ssyncset.done $0x0  }
0xa4: {  	[sflag:s10] =	ssyncadd.s32 $0xFFFFC000  }
0xa5: {  	_ =	swait.ge [sflag:s26], $0x4000  }
0xa6: {  	[sflag:s26] =	ssyncset.done $0x0  }
0xa7: {  	[sflag:s26] =	ssyncadd.s32 $0xFFFFC000  }
0xa8: {  	[spmem:s3] =	stream.indirect.scatter.add.f32 [tilespmem:s20], [sflag:$0x6], $0x80, s0, s12, $0xb8;
	[tilespmem:$0x1F800] =	vst v63  }
0xa9: {  	s15 =	sshll.u32 s1, $0x6;
	s11 =	sadd.s32 $0x1, s11;
	_ =	swait.ge [sflag:s10], $0x4000  }
0xaa: {  	s19 =	sshrl.u32 s7, $0x3;
	p0 =	sne.s32 s11, s9;
	[sflag:s10] =	ssyncset.done $0x0  }
.Ltmp2:
0xab: {  	s15 =	sor.u32 $0x1C06, s15;
	[sflag:s10] =	ssyncadd.s32 $0xFFFFC000;
	(pc) =	sbr.rel @p0 .LBB2_1-.Ltmp2, $4  }
0xac: {  	[hbm:s8], [sflag:s15] =	dma.local [spmem:s19], $0x800  }
0xad: {  	_ =	swait.ge [sflag:s10], $0x800  }
0xae: {  	[sflag:s10] =	ssyncset.done $0x0  }
0xaf: {  	[sflag:s10] =	ssyncadd.s32 $0xFFFFF800  }
0xb0: {  	_ =	sfence.sel $0x180000  }
0xb1: {  	[bflag:$0x0] =	sbarrier.arrive $0xFFFF  }
0xb2: {  	_ =	strace $0x90000047  }
0xb3: {  	[bflag:$0x2] =	sbarrier.arrive $0xFFFF  }
0xb4: {  	p0 =	sne.s32 s1, $0x0;
	s0 =	rddreg [dreg:$0x5]  }
0xb5: {  	s0 =	sadd.s32 @!p0 $0x100000, s0  }
0xb6: {  	[sflag:s0] =	ssyncadd.tile.s32 @!p0 $0x1;
	_ =	shalt  }
.Lfunc_end2:
_tile_overlayer_lowered:
.L_overlay_start_2:
0xb7: {  	(tag) =	ssettag $0x2  }
0xb8: {  	s0 =	rddreg [dreg:$0x0];
	s2 =	stileid.u32  }
0xb9: {  	s1 =	rddreg [dreg:$0x1];
	p0 =	sne.s32 s2, $0x0  }
0xba: {  	s3 =	rddreg [dreg:$0x2];
	[bflag:$0x3] =	sbarrier.arrive $0xFFFF;
	s2 =	simm.s32 @!p0 $0x1C06  }
0xbb: {  	[timem:s3], [sflag:s2] =	dma.local @!p0 [hbm:s0], s1  }
0xbc: {  	s0 =	simm.s32 @!p0 $0x6  }
0xbd: {  	_ =	swait.ge @!p0 [sflag:s0], s1  }
0xbe: {  	s1 =	ssub.s32 @!p0 $0x0, s1;
	[sflag:s0] =	ssyncset.done @!p0 $0x0  }
0xbf: {  	[sflag:s0] =	ssyncadd.s32 @!p0 s1  }
0xc0: {  	[bflag:$0x3] =	sbarrier.arrive $0xFFFF  }
0xc1: {  	_ =	shalt  }

</sc_bundles>
